<compile_context>
chip_gen: v7x
topology: tpu7x:2x2x1
jax: 0.10.2.dev20260603
libtpu: 0.0.44.dev20260713+nightly
codegen_flags: <defaults>
</compile_context>

<pallas_src>
import functools

import jax
import jax.numpy as jnp
from jax.experimental import pallas as pl
from jax.experimental.pallas import tpu as pltpu
from jax.experimental.pallas import tpu_sc as plsc

S, D = 2048, 768
H, DH = 12, 64
INNER = H * DH
E = 8
HID = 1024
EPS = 1e-5

BS1 = 256
BQ = 256
BLKG = 256
N = 2 * S
NBG = N // BLKG + E
NPAD = NBG * BLKG
NW = 32
NC = 2


def _ln(x, scale, bias):
    m = jnp.mean(x, axis=-1, keepdims=True)
    v = jnp.mean((x - m) ** 2, axis=-1, keepdims=True)
    return (x - m) / jnp.sqrt(v + EPS) * scale + bias


def _kln(x_ref, s_ref, b_ref, h_ref):
    h_ref[...] = _ln(x_ref[...], s_ref[...], b_ref[...])


def _ln_call(x, scale, bias):
    return pl.pallas_call(
        _kln,
        grid=(S // BS1,),
        in_specs=[
            pl.BlockSpec((BS1, D), lambda i: (i, 0)),
            pl.BlockSpec((1, D), lambda i: (0, 0)),
            pl.BlockSpec((1, D), lambda i: (0, 0)),
        ],
        out_specs=pl.BlockSpec((BS1, D), lambda i: (i, 0)),
        out_shape=jax.ShapeDtypeStruct((S, D), jnp.float32),
    )(x, scale.reshape(1, D), bias.reshape(1, D))


def _k1(h_ref, w_ref, out_ref):
    out_ref[...] = jnp.dot(h_ref[...], w_ref[...],
                           preferred_element_type=jnp.float32)


def _qkv(h, wqkv):
    return pl.pallas_call(
        _k1,
        grid=(S // BS1, 3),
        in_specs=[
            pl.BlockSpec((BS1, D), lambda i, j: (i, 0)),
            pl.BlockSpec((D, INNER), lambda i, j: (0, j)),
        ],
        out_specs=pl.BlockSpec((BS1, INNER), lambda i, j: (i, j)),
        out_shape=jax.ShapeDtypeStruct((S, 3 * INNER), jnp.float32),
    )(h, wqkv)


def _k2(q_ref, k_ref, v_ref, o_ref):
    q = q_ref[0]
    k = k_ref[0]
    s = jax.lax.dot_general(q, k, (((1,), (1,)), ((), ())),
                            preferred_element_type=jnp.float32) * (DH ** -0.5)
    m = jnp.max(s, axis=-1, keepdims=True)
    p = jnp.exp(s - m)
    p = p / jnp.sum(p, axis=-1, keepdims=True)
    o_ref[0] = jnp.dot(p, v_ref[0], preferred_element_type=jnp.float32)


def _attn(q, k, v):
    return pl.pallas_call(
        _k2,
        grid=(H, S // BQ),
        in_specs=[
            pl.BlockSpec((1, BQ, DH), lambda h, i: (h, i, 0)),
            pl.BlockSpec((1, S, DH), lambda h, i: (h, 0, 0)),
            pl.BlockSpec((1, S, DH), lambda h, i: (h, 0, 0)),
        ],
        out_specs=pl.BlockSpec((1, BQ, DH), lambda h, i: (h, i, 0)),
        out_shape=jax.ShapeDtypeStruct((H, S, DH), jnp.float32),
    )(q, k, v)


def _k3a(x_ref, o_ref, wo_ref, bo_ref, s_ref, b_ref, x1_ref, h2_ref):
    x1 = x_ref[...] + jnp.dot(o_ref[...], wo_ref[...],
                              preferred_element_type=jnp.float32) + bo_ref[...]
    x1_ref[...] = x1
    h2_ref[...] = _ln(x1, s_ref[...], b_ref[...])


def _proj_ln2(x, o, Wo, bo, ln2_scale, ln2_bias):
    return pl.pallas_call(
        _k3a,
        grid=(S // BS1,),
        in_specs=[
            pl.BlockSpec((BS1, D), lambda i: (i, 0)),
            pl.BlockSpec((BS1, INNER), lambda i: (i, 0)),
            pl.BlockSpec((INNER, D), lambda i: (0, 0)),
            pl.BlockSpec((1, D), lambda i: (0, 0)),
            pl.BlockSpec((1, D), lambda i: (0, 0)),
            pl.BlockSpec((1, D), lambda i: (0, 0)),
        ],
        out_specs=[
            pl.BlockSpec((BS1, D), lambda i: (i, 0)),
            pl.BlockSpec((BS1, D), lambda i: (i, 0)),
        ],
        out_shape=[
            jax.ShapeDtypeStruct((S, D), jnp.float32),
            jax.ShapeDtypeStruct((S, D), jnp.float32),
        ],
    )(x, o, Wo, bo.reshape(1, D), ln2_scale.reshape(1, D),
      ln2_bias.reshape(1, D))


def _k3(h2_ref, wg_ref, rw_ref, we_ref):
    g = jnp.dot(h2_ref[...], wg_ref[...], preferred_element_type=jnp.float32)
    m = jnp.max(g, axis=-1, keepdims=True)
    p = jnp.exp(g - m)
    p = p / jnp.sum(p, axis=-1, keepdims=True)
    rw_ref[...] = p
    lane = jax.lax.broadcasted_iota(jnp.int32, p.shape, 1)
    m1 = jnp.max(p, axis=-1, keepdims=True)
    i1 = jnp.min(jnp.where(p == m1, lane, E), axis=-1, keepdims=True)
    mask1 = lane == i1
    p2 = jnp.where(mask1, -1.0, p)
    m2 = jnp.max(p2, axis=-1, keepdims=True)
    i2 = jnp.min(jnp.where(p2 == m2, lane, E), axis=-1, keepdims=True)
    mask2 = lane == i2
    tot = m1 + m2
    we_ref[...] = jnp.where(mask1, m1 / tot, jnp.where(mask2, m2 / tot, 0.0))


def _gate(h2, Wg):
    return pl.pallas_call(
        _k3,
        grid=(S // BS1,),
        in_specs=[
            pl.BlockSpec((BS1, D), lambda i: (i, 0)),
            pl.BlockSpec((D, E), lambda i: (0, 0)),
        ],
        out_specs=[
            pl.BlockSpec((BS1, E), lambda i: (i, 0)),
            pl.BlockSpec((BS1, E), lambda i: (i, 0)),
        ],
        out_shape=[
            jax.ShapeDtypeStruct((S, E), jnp.float32),
            jax.ShapeDtypeStruct((S, E), jnp.float32),
        ],
    )(h2, Wg)


def _sc_dispatch_gather(h2, idx2d):
    mesh = plsc.VectorSubcoreMesh(core_axis_name="c", subcore_axis_name="s")

    @functools.partial(
        pl.kernel, mesh=mesh,
        out_type=jax.ShapeDtypeStruct((NPAD, D), jnp.float32),
        scratch_types=[
            pltpu.VMEM((3, 64), jnp.int32),
            pltpu.VMEM((64, D), jnp.float32),
            pltpu.SemaphoreType.DMA,
        ],
    )
    def k(h2_hbm, idx_hbm, out_hbm, idx_v, rows_v, sem):
        wid = jax.lax.axis_index("s") * NC + jax.lax.axis_index("c")
        pltpu.sync_copy(idx_hbm.at[wid], idx_v)
        for c in range(3):
            pltpu.async_copy(h2_hbm.at[idx_v.at[c]], rows_v, sem).wait()
            pltpu.sync_copy(rows_v, out_hbm.at[pl.ds(wid * 192 + c * 64, 64)])

    return k(h2, idx2d)


def _k4g(be_ref, nv_ref, xs_ref, w_ref, wn_ref, w1_ref, w3_ref, w2_ref,
         ys_ref, bs_ref):
    b = pl.program_id(0)
    valid = b < nv_ref[0]

    @pl.when(valid)
    def _():
        xb = xs_ref[...]
        h1 = jnp.dot(xb, w1_ref[0], preferred_element_type=jnp.float32)
        h1 = h1 * (1.0 / (1.0 + jnp.exp(-h1)))
        h3 = jnp.dot(xb, w3_ref[0], preferred_element_type=jnp.float32)
        y = jnp.dot(h1 * h3, w2_ref[0], preferred_element_type=jnp.float32)
        ys_ref[...] = y * w_ref[...]
        row = jnp.sum(y * wn_ref[...], axis=0, keepdims=True)
        rmask = jax.lax.broadcasted_iota(jnp.int32, (8, D), 0) == 0
        bs_ref[...] = jnp.where(rmask, row, 0.0)

    @pl.when(jnp.logical_not(valid))
    def _():
        ys_ref[...] = jnp.zeros((BLKG, D), jnp.float32)
        bs_ref[...] = jnp.zeros((8, D), jnp.float32)


def _moe_grouped(be, nvalid, xs, w_rows, wn_rows, w1, w3, w2):
    grid_spec = pltpu.PrefetchScalarGridSpec(
        num_scalar_prefetch=2,
        grid=(NBG,),
        in_specs=[
            pl.BlockSpec((BLKG, D), lambda b, be, nv: (b, 0)),
            pl.BlockSpec((BLKG, 1), lambda b, be, nv: (b, 0)),
            pl.BlockSpec((BLKG, 1), lambda b, be, nv: (b, 0)),
            pl.BlockSpec((1, D, HID), lambda b, be, nv: (be[b], 0, 0)),
            pl.BlockSpec((1, D, HID), lambda b, be, nv: (be[b], 0, 0)),
            pl.BlockSpec((1, HID, D), lambda b, be, nv: (be[b], 0, 0)),
        ],
        out_specs=[
            pl.BlockSpec((BLKG, D), lambda b, be, nv: (b, 0)),
            pl.BlockSpec((8, D), lambda b, be, nv: (b, 0)),
        ],
    )
    return pl.pallas_call(
        _k4g,
        grid_spec=grid_spec,
        out_shape=[
            jax.ShapeDtypeStruct((NPAD, D), jnp.float32),
            jax.ShapeDtypeStruct((NBG * 8, D), jnp.float32),
        ],
    )(be, nvalid, xs, w_rows, wn_rows, w1, w3, w2)


def _sc_combine_gather(ys, p0_2d, p1_2d):
    mesh = plsc.VectorSubcoreMesh(core_axis_name="c", subcore_axis_name="s")

    @functools.partial(
        pl.kernel, mesh=mesh,
        out_type=(jax.ShapeDtypeStruct((S, D), jnp.float32),
                  jax.ShapeDtypeStruct((S, D), jnp.float32)),
        scratch_types=[
            pltpu.VMEM((1, 64), jnp.int32),
            pltpu.VMEM((64, D), jnp.float32),
            pltpu.SemaphoreType.DMA,
        ],
    )
    def k(ys_hbm, p0_hbm, p1_hbm, g0_hbm, g1_hbm, idx_v, rows_v, sem):
        wid = jax.lax.axis_index("s") * NC + jax.lax.axis_index("c")
        pltpu.sync_copy(p0_hbm.at[wid], idx_v)
        pltpu.async_copy(ys_hbm.at[idx_v.at[0]], rows_v, sem).wait()
        pltpu.sync_copy(rows_v, g0_hbm.at[pl.ds(wid * 64, 64)])
        pltpu.sync_copy(p1_hbm.at[wid], idx_v)
        pltpu.async_copy(ys_hbm.at[idx_v.at[0]], rows_v, sem).wait()
        pltpu.sync_copy(rows_v, g1_hbm.at[pl.ds(wid * 64, 64)])

    return k(ys, p0_2d, p1_2d)


def _k6(x1_ref, g0_ref, g1_ref, out_ref):
    out_ref[...] = x1_ref[...] + g0_ref[...] + g1_ref[...]


def _combine(x1, g0, g1):
    return pl.pallas_call(
        _k6,
        grid=(S // 512,),
        in_specs=[pl.BlockSpec((512, D), lambda i: (i, 0))] * 3,
        out_specs=pl.BlockSpec((512, D), lambda i: (i, 0)),
        out_shape=jax.ShapeDtypeStruct((S, D), jnp.float32),
    )(x1, g0, g1)


def _k5(mc_ref, bs_ref, wc_ref, bc_ref, out_ref):
    embs = jnp.dot(mc_ref[...], bs_ref[...], preferred_element_type=jnp.float32)
    out_ref[...] = jnp.dot(embs, wc_ref[...],
                           preferred_element_type=jnp.float32) + bc_ref[...]


def _logits(mcum, bsums, Wc, bc):
    R = bsums.shape[0]
    return pl.pallas_call(
        _k5,
        grid=(1,),
        in_specs=[
            pl.BlockSpec((E, R), lambda i: (0, 0)),
            pl.BlockSpec((R, D), lambda i: (0, 0)),
            pl.BlockSpec((D, 1), lambda i: (0, 0)),
            pl.BlockSpec((1, 1), lambda i: (0, 0)),
        ],
        out_specs=pl.BlockSpec((E, 1), lambda i: (0, 0)),
        out_shape=jax.ShapeDtypeStruct((E, 1), jnp.float32),
    )(mcum, bsums, Wc, bc.reshape(1, 1))


def _dispatch_indices(we, nonpad):
    w2v, sel2 = jax.lax.top_k(we, 2)
    ids = sel2.reshape(-1).astype(jnp.int32)
    wts = w2v.reshape(-1)
    tok = jnp.arange(N, dtype=jnp.int32) // 2
    oh = (ids[:, None] == jnp.arange(E, dtype=jnp.int32)[None, :]
          ).astype(jnp.int32)
    cum = jnp.cumsum(oh, axis=0)
    rank = jnp.take_along_axis(cum, ids[:, None], axis=1)[:, 0] - 1
    counts = cum[-1]
    cap = ((counts + BLKG - 1) // BLKG) * BLKG
    pstarts = jnp.concatenate(
        [jnp.zeros(1, jnp.int32), jnp.cumsum(cap)[:-1]])
    r_flat = pstarts[ids] + rank
    tok_rows = (jnp.arange(NPAD, dtype=jnp.int32) % S).at[r_flat].set(tok)
    w_rows = jnp.zeros(NPAD, jnp.float32).at[r_flat].set(wts)
    wn_rows = w_rows * nonpad.reshape(-1)[tok_rows]
    nvalid = (jnp.sum(cap) // BLKG).astype(jnp.int32)
    bidx = jnp.arange(NBG, dtype=jnp.int32)
    be = jnp.sum((bidx[:, None] * BLKG >= pstarts[None, :]).astype(jnp.int32),
                 axis=1) - 1
    be_last = be[jnp.maximum(nvalid - 1, 0)]
    be = jnp.where(bidx < nvalid, be, be_last).astype(jnp.int32)
    pos0 = r_flat.reshape(S, 2)[:, 0]
    pos1 = r_flat.reshape(S, 2)[:, 1]
    return tok_rows, w_rows, wn_rows, be, nvalid.reshape(1), pos0, pos1


def kernel(x, tgt_pad, tgt_mask_id_bool, ln1_scale, ln1_bias, ln2_scale,
           ln2_bias, Wq, Wk, Wv, Wo, bo, Wg, w1, w2, w3, Wc, bc):
    x2 = x.reshape(S, D)
    wqkv = jnp.concatenate([Wq, Wk, Wv], axis=1)
    h = _ln_call(x2, ln1_scale, ln1_bias)
    qkv = _qkv(h, wqkv)
    q = qkv[:, :INNER].reshape(S, H, DH).transpose(1, 0, 2)
    k = qkv[:, INNER:2 * INNER].reshape(S, H, DH).transpose(1, 0, 2)
    v = qkv[:, 2 * INNER:].reshape(S, H, DH).transpose(1, 0, 2)
    o = _attn(q, k, v).transpose(1, 0, 2).reshape(S, INNER)
    x1, h2 = _proj_ln2(x2, o, Wo, bo, ln2_scale, ln2_bias)
    rw, we = _gate(h2, Wg)

    nonpad = (~(tgt_pad | tgt_mask_id_bool)).astype(jnp.float32).reshape(S, 1)
    denom = jnp.maximum(jnp.sum(nonpad), 1.0)

    tok_rows, w_rows, wn_rows, be, nvalid, pos0, pos1 = \
        _dispatch_indices(we, nonpad)

    xs = _sc_dispatch_gather(h2, tok_rows.reshape(NW, 3, 64))
    ys, bsums = _moe_grouped(be, nvalid, xs, w_rows.reshape(NPAD, 1),
                             wn_rows.reshape(NPAD, 1), w1, w3, w2)
    g0, g1 = _sc_combine_gather(ys, pos0.reshape(NW, 1, 64),
                                pos1.reshape(NW, 1, 64))
    x_out = _combine(x1, g0, g1)

    be_rows = jnp.repeat(be, 8)
    first = jnp.tile(jnp.arange(8), NBG) == 0
    mcum = ((be_rows[None, :] <= jnp.arange(E)[:, None]) & first[None, :]
            ).astype(jnp.float32) / denom
    logits = _logits(mcum, bsums, Wc, bc)

    return (x_out.reshape(1, S, D), logits.reshape(E, 1, 1),
            rw.reshape(1, S, E))

# --- scband reference (transcript-rebuilt; emitter-appended) ---
"""Pipeline reference for scband-block-49185965473965 (READ-ONLY COPY).

The authoritative reference and input builder live on the scoring server;
editing this copy changes nothing except your own understanding.
"""

import jax, jax.numpy as jnp
import numpy as np

B, S, D = 1, 2048, 768
H, DH = 12, 64
INNER = H * DH
E, K = 8, 2
HID = 1024


def _ln(x, scale, bias, eps=1e-5):
    m = x.mean(-1, keepdims=True)
    v = ((x - m) ** 2).mean(-1, keepdims=True)
    return (x - m) / jnp.sqrt(v + eps) * scale + bias


def setup_inputs(seed: int = 0):
    key = jax.random.key(seed)
    ks = jax.random.split(key, 20)

    def w(k, shape, fan):
        return jax.random.normal(k, shape, jnp.float32) * (1.0 / np.sqrt(fan))

    inp = {}
    inp['x'] = jax.random.normal(ks[0], (B, S, D), jnp.float32)
    inp['tgt_pad'] = jnp.zeros((B, S), dtype=bool)
    inp['tgt_mask_id_bool'] = jnp.zeros((B, S), dtype=bool)
    inp['ln1_scale'] = jnp.ones((D,), jnp.float32)
    inp['ln1_bias'] = jnp.zeros((D,), jnp.float32)
    inp['ln2_scale'] = jnp.ones((D,), jnp.float32)
    inp['ln2_bias'] = jnp.zeros((D,), jnp.float32)
    inp['Wq'] = w(ks[1], (D, INNER), D)
    inp['Wk'] = w(ks[2], (D, INNER), D)
    inp['Wv'] = w(ks[3], (D, INNER), D)
    inp['Wo'] = w(ks[4], (INNER, D), INNER)
    inp['bo'] = jnp.zeros((D,), jnp.float32)
    inp['Wg'] = w(ks[5], (D, E), D)
    inp['w1'] = w(ks[6], (E, D, HID), D)
    inp['w2'] = w(ks[7], (E, HID, D), HID)
    inp['w3'] = w(ks[8], (E, D, HID), D)
    inp['Wc'] = w(ks[9], (D, 1), D)
    inp['bc'] = jnp.zeros((1,), jnp.float32)
    return inp


def reference(x, tgt_pad, tgt_mask_id_bool, ln1_scale, ln1_bias, ln2_scale, ln2_bias, Wq, Wk, Wv, Wo, bo, Wg, w1, w2, w3, Wc, bc):
    # --- self attention (CrossAttention with context=None) with pre-norm + residual ---
    h = _ln(x, ln1_scale, ln1_bias)
    q = (h @ Wq).reshape(B, S, H, DH).transpose(0, 2, 1, 3)
    k = (h @ Wk).reshape(B, S, H, DH).transpose(0, 2, 1, 3)
    v = (h @ Wv).reshape(B, S, H, DH).transpose(0, 2, 1, 3)
    sim = jnp.einsum('bhid,bhjd->bhij', q, k) * (DH ** -0.5)
    attn = jax.nn.softmax(sim, axis=-1)
    o = jnp.einsum('bhij,bhjd->bhid', attn, v).transpose(0, 2, 1, 3).reshape(B, S, INNER)
    x = x + (o @ Wo + bo)
    # --- SoftGatingMoE (moe_ffn) ---
    h2 = _ln(x, ln2_scale, ln2_bias)
    xf = h2.reshape(-1, D)
    gate_logits = xf @ Wg  # temperature = 1.0
    rw_full = jax.nn.softmax(gate_logits.astype(jnp.float32), axis=-1)
    routing_weights_full = rw_full.reshape(B, S, E)
    topw, sel = jax.lax.top_k(rw_full, K)
    topw = topw / topw.sum(-1, keepdims=True)
    topw = topw.astype(xf.dtype)
    combined = tgt_mask_id_bool | tgt_pad
    nonpad = (~combined).astype(xf.dtype)  # [B, S]
    denom = jnp.maximum(nonpad.sum(1, keepdims=True), 1.0)  # [B, 1]
    final = jnp.zeros((B * S, D), xf.dtype)
    logits = []
    for e in range(E):
        # dense-equivalent of gather->expert->index_add: weight is 0 for unrouted tokens
        we = (topw * (sel == e)).sum(-1)  # [B*S]
        y = (jax.nn.silu(xf @ w1[e]) * (xf @ w3[e])) @ w2[e]
        final = final + y * we[:, None]
        emb = (final.reshape(B, S, D) * nonpad[..., None]).sum(1) / denom  # mean_nonpadding_embs
        logits.append(emb @ Wc + bc)
    x = x + final.reshape(B, S, D)
    return (x, jnp.stack(logits, 0), routing_weights_full)

if __name__ == "__main__":
    import jax
    _d = setup_inputs()
    print(jax.jit(kernel)(*tuple(_d.values())))

</pallas_src>

<mosaic_0001>
#map = affine_map<(d0, d1) -> (0, 0)>
#map1 = affine_map<(d0, d1) -> (0, 0, 0)>
module attributes {stable_mosaic.version = 14 : i64} {
  func.func @k(%arg0: i32, %arg1: i32, %arg2: memref<2048x768xf32, #tpu.memory_space<hbm>>, %arg3: memref<32x3x64xi32, #tpu.memory_space<hbm>>, %arg4: memref<6144x768xf32, #tpu.memory_space<hbm>>, %arg5: memref<3x64xi32, #tpu.memory_space<vmem>>, %arg6: memref<64x768xf32, #tpu.memory_space<vmem>>, %arg7: memref<!tpu.dma_semaphore, #tpu.memory_space<semaphore_mem>>) attributes {dimension_semantics = [#tpu.dimension_semantics<core_parallel>, #tpu.dimension_semantics<subcore_parallel>], iteration_bounds = array<i64: 2, 16>, scalar_prefetch = 0 : i64, scratch_operands = 3 : i64, tpu.core_type = #tpu.core_type<sc_vector_subcore>, window_params = [{transform_indices = #map}, {transform_indices = #map1}, {transform_indices = #map}]} {
    %mul3A = arith.constant 2 : i32
    %mul3A_0 = arith.muli %arg1, %mul3A : i32
    %add3A = arith.addi %mul3A_0, %arg0 : i32
    "tpu.region"() ({
      %run_scoped3A = tpu.sem_alloc : memref<!tpu.dma_semaphore, #tpu.memory_space<semaphore_mem>>
      %dma_start3A_53 = arith.constant 0 : i32
      %dma_start3A_54 = arith.constant 0 : i32
      %dma_start3A_55 = tpu.memref_slice %arg3[%add3A, %dma_start3A_53, %dma_start3A_54] : memref<32x3x64xi32, #tpu.memory_space<hbm>> -> memref<1x3x64xi32, #tpu.memory_space<hbm>>
      %dma_start3A_56 = tpu.memref_squeeze %dma_start3A_55 : memref<1x3x64xi32, #tpu.memory_space<hbm>> -> memref<3x64xi32, #tpu.memory_space<hbm>>
      %dma_start3A_57 = arith.constant 0 : i32
      %dma_start3A_58 = arith.constant 0 : i32
      %dma_start3A_59 = tpu.memref_slice %arg3[%add3A, %dma_start3A_57, %dma_start3A_58] : memref<32x3x64xi32, #tpu.memory_space<hbm>> -> memref<1x3x64xi32, #tpu.memory_space<hbm>>
      %dma_start3A_60 = tpu.memref_squeeze %dma_start3A_59 : memref<1x3x64xi32, #tpu.memory_space<hbm>> -> memref<3x64xi32, #tpu.memory_space<hbm>>
      tpu.enqueue_dma source(%dma_start3A_60 : memref<3x64xi32, #tpu.memory_space<hbm>>) target(%arg5 : memref<3x64xi32, #tpu.memory_space<vmem>>) target_semaphore(%run_scoped3A : memref<!tpu.dma_semaphore, #tpu.memory_space<semaphore_mem>>)
      %dma_wait3A_61 = arith.constant 0 : i32
      %dma_wait3A_62 = arith.constant 0 : i32
      %dma_wait3A_63 = tpu.memref_slice %arg3[%add3A, %dma_wait3A_61, %dma_wait3A_62] : memref<32x3x64xi32, #tpu.memory_space<hbm>> -> memref<1x3x64xi32, #tpu.memory_space<hbm>>
      %dma_wait3A_64 = tpu.memref_squeeze %dma_wait3A_63 : memref<1x3x64xi32, #tpu.memory_space<hbm>> -> memref<3x64xi32, #tpu.memory_space<hbm>>
      %dma_wait3A_65 = arith.constant 0 : i32
      %dma_wait3A_66 = arith.constant 0 : i32
      %dma_wait3A_67 = tpu.memref_slice %arg3[%add3A, %dma_wait3A_65, %dma_wait3A_66] : memref<32x3x64xi32, #tpu.memory_space<hbm>> -> memref<1x3x64xi32, #tpu.memory_space<hbm>>
      %dma_wait3A_68 = tpu.memref_squeeze %dma_wait3A_67 : memref<1x3x64xi32, #tpu.memory_space<hbm>> -> memref<3x64xi32, #tpu.memory_space<hbm>>
      tpu.wait_dma2 semaphore(%run_scoped3A : memref<!tpu.dma_semaphore, #tpu.memory_space<semaphore_mem>>) src(%dma_wait3A_68 : memref<3x64xi32, #tpu.memory_space<hbm>>) dst(%arg5 : memref<3x64xi32, #tpu.memory_space<vmem>>)
      tpu.yield
    }) : () -> ()
    %dma_start3A = arith.constant 0 : i32
    %dma_start3A_1 = arith.constant 0 : i32
    %dma_start3A_2 = tpu.memref_slice %arg5[%dma_start3A, %dma_start3A_1] : memref<3x64xi32, #tpu.memory_space<vmem>> -> memref<1x64xi32, #tpu.memory_space<vmem>>
    %dma_start3A_3 = tpu.memref_squeeze %dma_start3A_2 : memref<1x64xi32, #tpu.memory_space<vmem>> -> memref<64xi32, #tpu.memory_space<vmem>>
    %dma_start3A_4 = arith.constant 0 : i32
    %dma_start3A_5 = arith.constant 0 : i32
    %dma_start3A_6 = tpu.memref_slice %arg2[%dma_start3A_4, %dma_start3A_5] : memref<2048x768xf32, #tpu.memory_space<hbm>> -> memref<2048x768xf32, #tpu.memory_space<hbm>>
    tpu.enqueue_indirect_dma source(%dma_start3A_6 : memref<2048x768xf32, #tpu.memory_space<hbm>>) target(%arg6 : memref<64x768xf32, #tpu.memory_space<vmem>>) offsets(%dma_start3A_3 : memref<64xi32, #tpu.memory_space<vmem>>) semaphore(%arg7 : memref<!tpu.dma_semaphore, #tpu.memory_space<semaphore_mem>>)
    %dma_wait3A = arith.constant 0 : i32
    %dma_wait3A_7 = arith.constant 0 : i32
    %dma_wait3A_8 = tpu.memref_slice %arg5[%dma_wait3A, %dma_wait3A_7] : memref<3x64xi32, #tpu.memory_space<vmem>> -> memref<1x64xi32, #tpu.memory_space<vmem>>
    %dma_wait3A_9 = tpu.memref_squeeze %dma_wait3A_8 : memref<1x64xi32, #tpu.memory_space<vmem>> -> memref<64xi32, #tpu.memory_space<vmem>>
    %dma_wait3A_10 = arith.constant 0 : i32
    %dma_wait3A_11 = arith.constant 0 : i32
    %dma_wait3A_12 = tpu.memref_slice %arg2[%dma_wait3A_10, %dma_wait3A_11] : memref<2048x768xf32, #tpu.memory_space<hbm>> -> memref<2048x768xf32, #tpu.memory_space<hbm>>
    tpu.wait_indirect_dma semaphore(%arg7 : memref<!tpu.dma_semaphore, #tpu.memory_space<semaphore_mem>>) src(%dma_wait3A_12 : memref<2048x768xf32, #tpu.memory_space<hbm>>) dst(%arg6 : memref<64x768xf32, #tpu.memory_space<vmem>>)
    %mul3A_13 = arith.constant 192 : i32
    %mul3A_14 = arith.muli %add3A, %mul3A_13 : i32
    %add3A_15 = arith.constant 0 : i32
    %add3A_16 = arith.addi %mul3A_14, %add3A_15 : i32
    "tpu.region"() ({
      %run_scoped3A = tpu.sem_alloc : memref<!tpu.dma_semaphore, #tpu.memory_space<semaphore_mem>>
      %dma_start3A_53 = arith.constant 0 : i32
      %dma_start3A_54 = tpu.memref_slice %arg4[%add3A_16, %dma_start3A_53] : memref<6144x768xf32, #tpu.memory_space<hbm>> -> memref<64x768xf32, #tpu.memory_space<hbm>>
      %dma_start3A_55 = arith.constant 0 : i32
      %dma_start3A_56 = tpu.memref_slice %arg4[%add3A_16, %dma_start3A_55] : memref<6144x768xf32, #tpu.memory_space<hbm>> -> memref<64x768xf32, #tpu.memory_space<hbm>>
      tpu.enqueue_dma source(%arg6 : memref<64x768xf32, #tpu.memory_space<vmem>>) target(%dma_start3A_56 : memref<64x768xf32, #tpu.memory_space<hbm>>) target_semaphore(%run_scoped3A : memref<!tpu.dma_semaphore, #tpu.memory_space<semaphore_mem>>)
      %dma_wait3A_57 = arith.constant 0 : i32
      %dma_wait3A_58 = tpu.memref_slice %arg4[%add3A_16, %dma_wait3A_57] : memref<6144x768xf32, #tpu.memory_space<hbm>> -> memref<64x768xf32, #tpu.memory_space<hbm>>
      %dma_wait3A_59 = arith.constant 0 : i32
      %dma_wait3A_60 = tpu.memref_slice %arg4[%add3A_16, %dma_wait3A_59] : memref<6144x768xf32, #tpu.memory_space<hbm>> -> memref<64x768xf32, #tpu.memory_space<hbm>>
      tpu.wait_dma2 semaphore(%run_scoped3A : memref<!tpu.dma_semaphore, #tpu.memory_space<semaphore_mem>>) src(%arg6 : memref<64x768xf32, #tpu.memory_space<vmem>>) dst(%dma_wait3A_60 : memref<64x768xf32, #tpu.memory_space<hbm>>)
      tpu.yield
    }) : () -> ()
    %dma_start3A_17 = arith.constant 1 : i32
    %dma_start3A_18 = arith.constant 0 : i32
    %dma_start3A_19 = tpu.memref_slice %arg5[%dma_start3A_17, %dma_start3A_18] : memref<3x64xi32, #tpu.memory_space<vmem>> -> memref<1x64xi32, #tpu.memory_space<vmem>>
    %dma_start3A_20 = tpu.memref_squeeze %dma_start3A_19 : memref<1x64xi32, #tpu.memory_space<vmem>> -> memref<64xi32, #tpu.memory_space<vmem>>
    %dma_start3A_21 = arith.constant 0 : i32
    %dma_start3A_22 = arith.constant 0 : i32
    %dma_start3A_23 = tpu.memref_slice %arg2[%dma_start3A_21, %dma_start3A_22] : memref<2048x768xf32, #tpu.memory_space<hbm>> -> memref<2048x768xf32, #tpu.memory_space<hbm>>
    tpu.enqueue_indirect_dma source(%dma_start3A_23 : memref<2048x768xf32, #tpu.memory_space<hbm>>) target(%arg6 : memref<64x768xf32, #tpu.memory_space<vmem>>) offsets(%dma_start3A_20 : memref<64xi32, #tpu.memory_space<vmem>>) semaphore(%arg7 : memref<!tpu.dma_semaphore, #tpu.memory_space<semaphore_mem>>)
    %dma_wait3A_24 = arith.constant 1 : i32
    %dma_wait3A_25 = arith.constant 0 : i32
    %dma_wait3A_26 = tpu.memref_slice %arg5[%dma_wait3A_24, %dma_wait3A_25] : memref<3x64xi32, #tpu.memory_space<vmem>> -> memref<1x64xi32, #tpu.memory_space<vmem>>
    %dma_wait3A_27 = tpu.memref_squeeze %dma_wait3A_26 : memref<1x64xi32, #tpu.memory_space<vmem>> -> memref<64xi32, #tpu.memory_space<vmem>>
    %dma_wait3A_28 = arith.constant 0 : i32
    %dma_wait3A_29 = arith.constant 0 : i32
    %dma_wait3A_30 = tpu.memref_slice %arg2[%dma_wait3A_28, %dma_wait3A_29] : memref<2048x768xf32, #tpu.memory_space<hbm>> -> memref<2048x768xf32, #tpu.memory_space<hbm>>
    tpu.wait_indirect_dma semaphore(%arg7 : memref<!tpu.dma_semaphore, #tpu.memory_space<semaphore_mem>>) src(%dma_wait3A_30 : memref<2048x768xf32, #tpu.memory_space<hbm>>) dst(%arg6 : memref<64x768xf32, #tpu.memory_space<vmem>>)
    %mul3A_31 = arith.constant 192 : i32
    %mul3A_32 = arith.muli %add3A, %mul3A_31 : i32
    %add3A_33 = arith.constant 64 : i32
    %add3A_34 = arith.addi %mul3A_32, %add3A_33 : i32
    "tpu.region"() ({
      %run_scoped3A = tpu.sem_alloc : memref<!tpu.dma_semaphore, #tpu.memory_space<semaphore_mem>>
      %dma_start3A_53 = arith.constant 0 : i32
      %dma_start3A_54 = tpu.memref_slice %arg4[%add3A_34, %dma_start3A_53] : memref<6144x768xf32, #tpu.memory_space<hbm>> -> memref<64x768xf32, #tpu.memory_space<hbm>>
      %dma_start3A_55 = arith.constant 0 : i32
      %dma_start3A_56 = tpu.memref_slice %arg4[%add3A_34, %dma_start3A_55] : memref<6144x768xf32, #tpu.memory_space<hbm>> -> memref<64x768xf32, #tpu.memory_space<hbm>>
      tpu.enqueue_dma source(%arg6 : memref<64x768xf32, #tpu.memory_space<vmem>>) target(%dma_start3A_56 : memref<64x768xf32, #tpu.memory_space<hbm>>) target_semaphore(%run_scoped3A : memref<!tpu.dma_semaphore, #tpu.memory_space<semaphore_mem>>)
      %dma_wait3A_57 = arith.constant 0 : i32
      %dma_wait3A_58 = tpu.memref_slice %arg4[%add3A_34, %dma_wait3A_57] : memref<6144x768xf32, #tpu.memory_space<hbm>> -> memref<64x768xf32, #tpu.memory_space<hbm>>
      %dma_wait3A_59 = arith.constant 0 : i32
      %dma_wait3A_60 = tpu.memref_slice %arg4[%add3A_34, %dma_wait3A_59] : memref<6144x768xf32, #tpu.memory_space<hbm>> -> memref<64x768xf32, #tpu.memory_space<hbm>>
      tpu.wait_dma2 semaphore(%run_scoped3A : memref<!tpu.dma_semaphore, #tpu.memory_space<semaphore_mem>>) src(%arg6 : memref<64x768xf32, #tpu.memory_space<vmem>>) dst(%dma_wait3A_60 : memref<64x768xf32, #tpu.memory_space<hbm>>)
      tpu.yield
    }) : () -> ()
    %dma_start3A_35 = arith.constant 2 : i32
    %dma_start3A_36 = arith.constant 0 : i32
    %dma_start3A_37 = tpu.memref_slice %arg5[%dma_start3A_35, %dma_start3A_36] : memref<3x64xi32, #tpu.memory_space<vmem>> -> memref<1x64xi32, #tpu.memory_space<vmem>>
    %dma_start3A_38 = tpu.memref_squeeze %dma_start3A_37 : memref<1x64xi32, #tpu.memory_space<vmem>> -> memref<64xi32, #tpu.memory_space<vmem>>
    %dma_start3A_39 = arith.constant 0 : i32
    %dma_start3A_40 = arith.constant 0 : i32
    %dma_start3A_41 = tpu.memref_slice %arg2[%dma_start3A_39, %dma_start3A_40] : memref<2048x768xf32, #tpu.memory_space<hbm>> -> memref<2048x768xf32, #tpu.memory_space<hbm>>
    tpu.enqueue_indirect_dma source(%dma_start3A_41 : memref<2048x768xf32, #tpu.memory_space<hbm>>) target(%arg6 : memref<64x768xf32, #tpu.memory_space<vmem>>) offsets(%dma_start3A_38 : memref<64xi32, #tpu.memory_space<vmem>>) semaphore(%arg7 : memref<!tpu.dma_semaphore, #tpu.memory_space<semaphore_mem>>)
    %dma_wait3A_42 = arith.constant 2 : i32
    %dma_wait3A_43 = arith.constant 0 : i32
    %dma_wait3A_44 = tpu.memref_slice %arg5[%dma_wait3A_42, %dma_wait3A_43] : memref<3x64xi32, #tpu.memory_space<vmem>> -> memref<1x64xi32, #tpu.memory_space<vmem>>
    %dma_wait3A_45 = tpu.memref_squeeze %dma_wait3A_44 : memref<1x64xi32, #tpu.memory_space<vmem>> -> memref<64xi32, #tpu.memory_space<vmem>>
    %dma_wait3A_46 = arith.constant 0 : i32
    %dma_wait3A_47 = arith.constant 0 : i32
    %dma_wait3A_48 = tpu.memref_slice %arg2[%dma_wait3A_46, %dma_wait3A_47] : memref<2048x768xf32, #tpu.memory_space<hbm>> -> memref<2048x768xf32, #tpu.memory_space<hbm>>
    tpu.wait_indirect_dma semaphore(%arg7 : memref<!tpu.dma_semaphore, #tpu.memory_space<semaphore_mem>>) src(%dma_wait3A_48 : memref<2048x768xf32, #tpu.memory_space<hbm>>) dst(%arg6 : memref<64x768xf32, #tpu.memory_space<vmem>>)
    %mul3A_49 = arith.constant 192 : i32
    %mul3A_50 = arith.muli %add3A, %mul3A_49 : i32
    %add3A_51 = arith.constant 128 : i32
    %add3A_52 = arith.addi %mul3A_50, %add3A_51 : i32
    "tpu.region"() ({
      %run_scoped3A = tpu.sem_alloc : memref<!tpu.dma_semaphore, #tpu.memory_space<semaphore_mem>>
      %dma_start3A_53 = arith.constant 0 : i32
      %dma_start3A_54 = tpu.memref_slice %arg4[%add3A_52, %dma_start3A_53] : memref<6144x768xf32, #tpu.memory_space<hbm>> -> memref<64x768xf32, #tpu.memory_space<hbm>>
      %dma_start3A_55 = arith.constant 0 : i32
      %dma_start3A_56 = tpu.memref_slice %arg4[%add3A_52, %dma_start3A_55] : memref<6144x768xf32, #tpu.memory_space<hbm>> -> memref<64x768xf32, #tpu.memory_space<hbm>>
      tpu.enqueue_dma source(%arg6 : memref<64x768xf32, #tpu.memory_space<vmem>>) target(%dma_start3A_56 : memref<64x768xf32, #tpu.memory_space<hbm>>) target_semaphore(%run_scoped3A : memref<!tpu.dma_semaphore, #tpu.memory_space<semaphore_mem>>)
      %dma_wait3A_57 = arith.constant 0 : i32
      %dma_wait3A_58 = tpu.memref_slice %arg4[%add3A_52, %dma_wait3A_57] : memref<6144x768xf32, #tpu.memory_space<hbm>> -> memref<64x768xf32, #tpu.memory_space<hbm>>
      %dma_wait3A_59 = arith.constant 0 : i32
      %dma_wait3A_60 = tpu.memref_slice %arg4[%add3A_52, %dma_wait3A_59] : memref<6144x768xf32, #tpu.memory_space<hbm>> -> memref<64x768xf32, #tpu.memory_space<hbm>>
      tpu.wait_dma2 semaphore(%run_scoped3A : memref<!tpu.dma_semaphore, #tpu.memory_space<semaphore_mem>>) src(%arg6 : memref<64x768xf32, #tpu.memory_space<vmem>>) dst(%dma_wait3A_60 : memref<64x768xf32, #tpu.memory_space<hbm>>)
      tpu.yield
    }) : () -> ()
    return
  }
}

#map = affine_map<(d0, d1) -> (0, 0)>
#map1 = affine_map<(d0, d1) -> (0, 0, 0)>
module attributes {stable_mosaic.version = 14 : i64} {
  func.func @k(%arg0: i32, %arg1: i32, %arg2: memref<6144x768xf32, #tpu.memory_space<hbm>>, %arg3: memref<32x1x64xi32, #tpu.memory_space<hbm>>, %arg4: memref<32x1x64xi32, #tpu.memory_space<hbm>>, %arg5: memref<2048x768xf32, #tpu.memory_space<hbm>>, %arg6: memref<2048x768xf32, #tpu.memory_space<hbm>>, %arg7: memref<1x64xi32, #tpu.memory_space<vmem>>, %arg8: memref<64x768xf32, #tpu.memory_space<vmem>>, %arg9: memref<!tpu.dma_semaphore, #tpu.memory_space<semaphore_mem>>) attributes {dimension_semantics = [#tpu.dimension_semantics<core_parallel>, #tpu.dimension_semantics<subcore_parallel>], iteration_bounds = array<i64: 2, 16>, scalar_prefetch = 0 : i64, scratch_operands = 3 : i64, tpu.core_type = #tpu.core_type<sc_vector_subcore>, window_params = [{transform_indices = #map}, {transform_indices = #map1}, {transform_indices = #map1}, {transform_indices = #map}, {transform_indices = #map}]} {
    %mul3A = arith.constant 2 : i32
    %mul3A_0 = arith.muli %arg1, %mul3A : i32
    %add3A = arith.addi %mul3A_0, %arg0 : i32
    "tpu.region"() ({
      %run_scoped3A = tpu.sem_alloc : memref<!tpu.dma_semaphore, #tpu.memory_space<semaphore_mem>>
      %dma_start3A_31 = arith.constant 0 : i32
      %dma_start3A_32 = arith.constant 0 : i32
      %dma_start3A_33 = tpu.memref_slice %arg3[%add3A, %dma_start3A_31, %dma_start3A_32] : memref<32x1x64xi32, #tpu.memory_space<hbm>> -> memref<1x1x64xi32, #tpu.memory_space<hbm>>
      %dma_start3A_34 = tpu.memref_squeeze %dma_start3A_33 : memref<1x1x64xi32, #tpu.memory_space<hbm>> -> memref<1x64xi32, #tpu.memory_space<hbm>>
      %dma_start3A_35 = arith.constant 0 : i32
      %dma_start3A_36 = arith.constant 0 : i32
      %dma_start3A_37 = tpu.memref_slice %arg3[%add3A, %dma_start3A_35, %dma_start3A_36] : memref<32x1x64xi32, #tpu.memory_space<hbm>> -> memref<1x1x64xi32, #tpu.memory_space<hbm>>
      %dma_start3A_38 = tpu.memref_squeeze %dma_start3A_37 : memref<1x1x64xi32, #tpu.memory_space<hbm>> -> memref<1x64xi32, #tpu.memory_space<hbm>>
      tpu.enqueue_dma source(%dma_start3A_38 : memref<1x64xi32, #tpu.memory_space<hbm>>) target(%arg7 : memref<1x64xi32, #tpu.memory_space<vmem>>) target_semaphore(%run_scoped3A : memref<!tpu.dma_semaphore, #tpu.memory_space<semaphore_mem>>)
      %dma_wait3A_39 = arith.constant 0 : i32
      %dma_wait3A_40 = arith.constant 0 : i32
      %dma_wait3A_41 = tpu.memref_slice %arg3[%add3A, %dma_wait3A_39, %dma_wait3A_40] : memref<32x1x64xi32, #tpu.memory_space<hbm>> -> memref<1x1x64xi32, #tpu.memory_space<hbm>>
      %dma_wait3A_42 = tpu.memref_squeeze %dma_wait3A_41 : memref<1x1x64xi32, #tpu.memory_space<hbm>> -> memref<1x64xi32, #tpu.memory_space<hbm>>
      %dma_wait3A_43 = arith.constant 0 : i32
      %dma_wait3A_44 = arith.constant 0 : i32
      %dma_wait3A_45 = tpu.memref_slice %arg3[%add3A, %dma_wait3A_43, %dma_wait3A_44] : memref<32x1x64xi32, #tpu.memory_space<hbm>> -> memref<1x1x64xi32, #tpu.memory_space<hbm>>
      %dma_wait3A_46 = tpu.memref_squeeze %dma_wait3A_45 : memref<1x1x64xi32, #tpu.memory_space<hbm>> -> memref<1x64xi32, #tpu.memory_space<hbm>>
      tpu.wait_dma2 semaphore(%run_scoped3A : memref<!tpu.dma_semaphore, #tpu.memory_space<semaphore_mem>>) src(%dma_wait3A_46 : memref<1x64xi32, #tpu.memory_space<hbm>>) dst(%arg7 : memref<1x64xi32, #tpu.memory_space<vmem>>)
      tpu.yield
    }) : () -> ()
    %dma_start3A = arith.constant 0 : i32
    %dma_start3A_1 = arith.constant 0 : i32
    %dma_start3A_2 = tpu.memref_slice %arg7[%dma_start3A, %dma_start3A_1] : memref<1x64xi32, #tpu.memory_space<vmem>> -> memref<1x64xi32, #tpu.memory_space<vmem>>
    %dma_start3A_3 = tpu.memref_squeeze %dma_start3A_2 : memref<1x64xi32, #tpu.memory_space<vmem>> -> memref<64xi32, #tpu.memory_space<vmem>>
    %dma_start3A_4 = arith.constant 0 : i32
    %dma_start3A_5 = arith.constant 0 : i32
    %dma_start3A_6 = tpu.memref_slice %arg2[%dma_start3A_4, %dma_start3A_5] : memref<6144x768xf32, #tpu.memory_space<hbm>> -> memref<6144x768xf32, #tpu.memory_space<hbm>>
    tpu.enqueue_indirect_dma source(%dma_start3A_6 : memref<6144x768xf32, #tpu.memory_space<hbm>>) target(%arg8 : memref<64x768xf32, #tpu.memory_space<vmem>>) offsets(%dma_start3A_3 : memref<64xi32, #tpu.memory_space<vmem>>) semaphore(%arg9 : memref<!tpu.dma_semaphore, #tpu.memory_space<semaphore_mem>>)
    %dma_wait3A = arith.constant 0 : i32
    %dma_wait3A_7 = arith.constant 0 : i32
    %dma_wait3A_8 = tpu.memref_slice %arg7[%dma_wait3A, %dma_wait3A_7] : memref<1x64xi32, #tpu.memory_space<vmem>> -> memref<1x64xi32, #tpu.memory_space<vmem>>
    %dma_wait3A_9 = tpu.memref_squeeze %dma_wait3A_8 : memref<1x64xi32, #tpu.memory_space<vmem>> -> memref<64xi32, #tpu.memory_space<vmem>>
    %dma_wait3A_10 = arith.constant 0 : i32
    %dma_wait3A_11 = arith.constant 0 : i32
    %dma_wait3A_12 = tpu.memref_slice %arg2[%dma_wait3A_10, %dma_wait3A_11] : memref<6144x768xf32, #tpu.memory_space<hbm>> -> memref<6144x768xf32, #tpu.memory_space<hbm>>
    tpu.wait_indirect_dma semaphore(%arg9 : memref<!tpu.dma_semaphore, #tpu.memory_space<semaphore_mem>>) src(%dma_wait3A_12 : memref<6144x768xf32, #tpu.memory_space<hbm>>) dst(%arg8 : memref<64x768xf32, #tpu.memory_space<vmem>>)
    %mul3A_13 = arith.constant 64 : i32
    %mul3A_14 = arith.muli %add3A, %mul3A_13 : i32
    "tpu.region"() ({
      %run_scoped3A = tpu.sem_alloc : memref<!tpu.dma_semaphore, #tpu.memory_space<semaphore_mem>>
      %dma_start3A_31 = arith.constant 0 : i32
      %dma_start3A_32 = tpu.memref_slice %arg5[%mul3A_14, %dma_start3A_31] : memref<2048x768xf32, #tpu.memory_space<hbm>> -> memref<64x768xf32, #tpu.memory_space<hbm>>
      %dma_start3A_33 = arith.constant 0 : i32
      %dma_start3A_34 = tpu.memref_slice %arg5[%mul3A_14, %dma_start3A_33] : memref<2048x768xf32, #tpu.memory_space<hbm>> -> memref<64x768xf32, #tpu.memory_space<hbm>>
      tpu.enqueue_dma source(%arg8 : memref<64x768xf32, #tpu.memory_space<vmem>>) target(%dma_start3A_34 : memref<64x768xf32, #tpu.memory_space<hbm>>) target_semaphore(%run_scoped3A : memref<!tpu.dma_semaphore, #tpu.memory_space<semaphore_mem>>)
      %dma_wait3A_35 = arith.constant 0 : i32
      %dma_wait3A_36 = tpu.memref_slice %arg5[%mul3A_14, %dma_wait3A_35] : memref<2048x768xf32, #tpu.memory_space<hbm>> -> memref<64x768xf32, #tpu.memory_space<hbm>>
      %dma_wait3A_37 = arith.constant 0 : i32
      %dma_wait3A_38 = tpu.memref_slice %arg5[%mul3A_14, %dma_wait3A_37] : memref<2048x768xf32, #tpu.memory_space<hbm>> -> memref<64x768xf32, #tpu.memory_space<hbm>>
      tpu.wait_dma2 semaphore(%run_scoped3A : memref<!tpu.dma_semaphore, #tpu.memory_space<semaphore_mem>>) src(%arg8 : memref<64x768xf32, #tpu.memory_space<vmem>>) dst(%dma_wait3A_38 : memref<64x768xf32, #tpu.memory_space<hbm>>)
      tpu.yield
    }) : () -> ()
    "tpu.region"() ({
      %run_scoped3A = tpu.sem_alloc : memref<!tpu.dma_semaphore, #tpu.memory_space<semaphore_mem>>
      %dma_start3A_31 = arith.constant 0 : i32
      %dma_start3A_32 = arith.constant 0 : i32
      %dma_start3A_33 = tpu.memref_slice %arg4[%add3A, %dma_start3A_31, %dma_start3A_32] : memref<32x1x64xi32, #tpu.memory_space<hbm>> -> memref<1x1x64xi32, #tpu.memory_space<hbm>>
      %dma_start3A_34 = tpu.memref_squeeze %dma_start3A_33 : memref<1x1x64xi32, #tpu.memory_space<hbm>> -> memref<1x64xi32, #tpu.memory_space<hbm>>
      %dma_start3A_35 = arith.constant 0 : i32
      %dma_start3A_36 = arith.constant 0 : i32
      %dma_start3A_37 = tpu.memref_slice %arg4[%add3A, %dma_start3A_35, %dma_start3A_36] : memref<32x1x64xi32, #tpu.memory_space<hbm>> -> memref<1x1x64xi32, #tpu.memory_space<hbm>>
      %dma_start3A_38 = tpu.memref_squeeze %dma_start3A_37 : memref<1x1x64xi32, #tpu.memory_space<hbm>> -> memref<1x64xi32, #tpu.memory_space<hbm>>
      tpu.enqueue_dma source(%dma_start3A_38 : memref<1x64xi32, #tpu.memory_space<hbm>>) target(%arg7 : memref<1x64xi32, #tpu.memory_space<vmem>>) target_semaphore(%run_scoped3A : memref<!tpu.dma_semaphore, #tpu.memory_space<semaphore_mem>>)
      %dma_wait3A_39 = arith.constant 0 : i32
      %dma_wait3A_40 = arith.constant 0 : i32
      %dma_wait3A_41 = tpu.memref_slice %arg4[%add3A, %dma_wait3A_39, %dma_wait3A_40] : memref<32x1x64xi32, #tpu.memory_space<hbm>> -> memref<1x1x64xi32, #tpu.memory_space<hbm>>
      %dma_wait3A_42 = tpu.memref_squeeze %dma_wait3A_41 : memref<1x1x64xi32, #tpu.memory_space<hbm>> -> memref<1x64xi32, #tpu.memory_space<hbm>>
      %dma_wait3A_43 = arith.constant 0 : i32
      %dma_wait3A_44 = arith.constant 0 : i32
      %dma_wait3A_45 = tpu.memref_slice %arg4[%add3A, %dma_wait3A_43, %dma_wait3A_44] : memref<32x1x64xi32, #tpu.memory_space<hbm>> -> memref<1x1x64xi32, #tpu.memory_space<hbm>>
      %dma_wait3A_46 = tpu.memref_squeeze %dma_wait3A_45 : memref<1x1x64xi32, #tpu.memory_space<hbm>> -> memref<1x64xi32, #tpu.memory_space<hbm>>
      tpu.wait_dma2 semaphore(%run_scoped3A : memref<!tpu.dma_semaphore, #tpu.memory_space<semaphore_mem>>) src(%dma_wait3A_46 : memref<1x64xi32, #tpu.memory_space<hbm>>) dst(%arg7 : memref<1x64xi32, #tpu.memory_space<vmem>>)
      tpu.yield
    }) : () -> ()
    %dma_start3A_15 = arith.constant 0 : i32
    %dma_start3A_16 = arith.constant 0 : i32
    %dma_start3A_17 = tpu.memref_slice %arg7[%dma_start3A_15, %dma_start3A_16] : memref<1x64xi32, #tpu.memory_space<vmem>> -> memref<1x64xi32, #tpu.memory_space<vmem>>
    %dma_start3A_18 = tpu.memref_squeeze %dma_start3A_17 : memref<1x64xi32, #tpu.memory_space<vmem>> -> memref<64xi32, #tpu.memory_space<vmem>>
    %dma_start3A_19 = arith.constant 0 : i32
    %dma_start3A_20 = arith.constant 0 : i32
    %dma_start3A_21 = tpu.memref_slice %arg2[%dma_start3A_19, %dma_start3A_20] : memref<6144x768xf32, #tpu.memory_space<hbm>> -> memref<6144x768xf32, #tpu.memory_space<hbm>>
    tpu.enqueue_indirect_dma source(%dma_start3A_21 : memref<6144x768xf32, #tpu.memory_space<hbm>>) target(%arg8 : memref<64x768xf32, #tpu.memory_space<vmem>>) offsets(%dma_start3A_18 : memref<64xi32, #tpu.memory_space<vmem>>) semaphore(%arg9 : memref<!tpu.dma_semaphore, #tpu.memory_space<semaphore_mem>>)
    %dma_wait3A_22 = arith.constant 0 : i32
    %dma_wait3A_23 = arith.constant 0 : i32
    %dma_wait3A_24 = tpu.memref_slice %arg7[%dma_wait3A_22, %dma_wait3A_23] : memref<1x64xi32, #tpu.memory_space<vmem>> -> memref<1x64xi32, #tpu.memory_space<vmem>>
    %dma_wait3A_25 = tpu.memref_squeeze %dma_wait3A_24 : memref<1x64xi32, #tpu.memory_space<vmem>> -> memref<64xi32, #tpu.memory_space<vmem>>
    %dma_wait3A_26 = arith.constant 0 : i32
    %dma_wait3A_27 = arith.constant 0 : i32
    %dma_wait3A_28 = tpu.memref_slice %arg2[%dma_wait3A_26, %dma_wait3A_27] : memref<6144x768xf32, #tpu.memory_space<hbm>> -> memref<6144x768xf32, #tpu.memory_space<hbm>>
    tpu.wait_indirect_dma semaphore(%arg9 : memref<!tpu.dma_semaphore, #tpu.memory_space<semaphore_mem>>) src(%dma_wait3A_28 : memref<6144x768xf32, #tpu.memory_space<hbm>>) dst(%arg8 : memref<64x768xf32, #tpu.memory_space<vmem>>)
    %mul3A_29 = arith.constant 64 : i32
    %mul3A_30 = arith.muli %add3A, %mul3A_29 : i32
    "tpu.region"() ({
      %run_scoped3A = tpu.sem_alloc : memref<!tpu.dma_semaphore, #tpu.memory_space<semaphore_mem>>
      %dma_start3A_31 = arith.constant 0 : i32
      %dma_start3A_32 = tpu.memref_slice %arg6[%mul3A_30, %dma_start3A_31] : memref<2048x768xf32, #tpu.memory_space<hbm>> -> memref<64x768xf32, #tpu.memory_space<hbm>>
      %dma_start3A_33 = arith.constant 0 : i32
      %dma_start3A_34 = tpu.memref_slice %arg6[%mul3A_30, %dma_start3A_33] : memref<2048x768xf32, #tpu.memory_space<hbm>> -> memref<64x768xf32, #tpu.memory_space<hbm>>
      tpu.enqueue_dma source(%arg8 : memref<64x768xf32, #tpu.memory_space<vmem>>) target(%dma_start3A_34 : memref<64x768xf32, #tpu.memory_space<hbm>>) target_semaphore(%run_scoped3A : memref<!tpu.dma_semaphore, #tpu.memory_space<semaphore_mem>>)
      %dma_wait3A_35 = arith.constant 0 : i32
      %dma_wait3A_36 = tpu.memref_slice %arg6[%mul3A_30, %dma_wait3A_35] : memref<2048x768xf32, #tpu.memory_space<hbm>> -> memref<64x768xf32, #tpu.memory_space<hbm>>
      %dma_wait3A_37 = arith.constant 0 : i32
      %dma_wait3A_38 = tpu.memref_slice %arg6[%mul3A_30, %dma_wait3A_37] : memref<2048x768xf32, #tpu.memory_space<hbm>> -> memref<64x768xf32, #tpu.memory_space<hbm>>
      tpu.wait_dma2 semaphore(%run_scoped3A : memref<!tpu.dma_semaphore, #tpu.memory_space<semaphore_mem>>) src(%arg8 : memref<64x768xf32, #tpu.memory_space<vmem>>) dst(%dma_wait3A_38 : memref<64x768xf32, #tpu.memory_space<hbm>>)
      tpu.yield
    }) : () -> ()
    return
  }
}

module attributes {stable_mosaic.version = 14 : i64} {
  func.func @_kln(%arg0: i32, %arg1: memref<256x768xf32, #tpu.memory_space<vmem>>, %arg2: memref<1x768xf32, #tpu.memory_space<vmem>>, %arg3: memref<1x768xf32, #tpu.memory_space<vmem>>, %arg4: memref<256x768xf32, #tpu.memory_space<vmem>>) attributes {dimension_semantics = [#tpu.dimension_semantics<arbitrary>], iteration_bounds = array<i64: 8>, scalar_prefetch = 0 : i64, scratch_operands = 0 : i64, tpu.core_type = #tpu.core_type<tc>, window_params = [{transform_indices = @transform_0, window_bounds = array<i64: 256, 768>}, {pipeline_mode = #tpu.pipeline_mode<synchronous>, transform_indices = @transform_1, window_bounds = array<i64: 1, 768>}, {pipeline_mode = #tpu.pipeline_mode<synchronous>, transform_indices = @transform_2, window_bounds = array<i64: 1, 768>}, {transform_indices = @transform_3, window_bounds = array<i64: 256, 768>}]} {
    %get3A = arith.constant 0 : index
    %get3A_0 = arith.constant 0 : index
    %get3A_1 = vector.load %arg1[%get3A, %get3A_0] : memref<256x768xf32, #tpu.memory_space<vmem>>, vector<256x768xf32>
    %get3A_2 = arith.constant 0 : index
    %get3A_3 = arith.constant 0 : index
    %get3A_4 = vector.load %arg2[%get3A_2, %get3A_3] : memref<1x768xf32, #tpu.memory_space<vmem>>, vector<1x768xf32>
    %get3A_5 = arith.constant 0 : index
    %get3A_6 = arith.constant 0 : index
    %get3A_7 = vector.load %arg3[%get3A_5, %get3A_6] : memref<1x768xf32, #tpu.memory_space<vmem>>, vector<1x768xf32>
    %reduce_sum3A = arith.constant dense<0.000000e+00> : vector<256xf32>
    %reduce_sum3A_8 = vector.multi_reduction <add>, %get3A_1, %reduce_sum3A [1] : vector<256x768xf32> to vector<256xf32>
    %broadcast_in_dim3A = vector.shape_cast %reduce_sum3A_8 : vector<256xf32> to vector<256x1xf32>
    %div3A = arith.constant 7.680000e+02 : f32
    %div3A_9 = vector.broadcast %div3A : f32 to vector<256x1xf32>
    %div3A_10 = arith.divf %broadcast_in_dim3A, %div3A_9 : vector<256x1xf32>
    %sub3A = vector.broadcast %div3A_10 : vector<256x1xf32> to vector<256x768xf32>
    %sub3A_11 = arith.subf %get3A_1, %sub3A : vector<256x768xf32>
    %integer_pow3A = arith.mulf %sub3A_11, %sub3A_11 : vector<256x768xf32>
    %reduce_sum3A_12 = arith.constant dense<0.000000e+00> : vector<256xf32>
    %reduce_sum3A_13 = vector.multi_reduction <add>, %integer_pow3A, %reduce_sum3A_12 [1] : vector<256x768xf32> to vector<256xf32>
    %broadcast_in_dim3A_14 = vector.shape_cast %reduce_sum3A_13 : vector<256xf32> to vector<256x1xf32>
    %div3A_15 = arith.constant 7.680000e+02 : f32
    %div3A_16 = vector.broadcast %div3A_15 : f32 to vector<256x1xf32>
    %div3A_17 = arith.divf %broadcast_in_dim3A_14, %div3A_16 : vector<256x1xf32>
    %sub3A_18 = vector.broadcast %div3A_10 : vector<256x1xf32> to vector<256x768xf32>
    %sub3A_19 = arith.subf %get3A_1, %sub3A_18 : vector<256x768xf32>
    %add3A = arith.constant 9.99999974E-6 : f32
    %add3A_20 = vector.broadcast %add3A : f32 to vector<256x1xf32>
    %add3A_21 = arith.addf %div3A_17, %add3A_20 : vector<256x1xf32>
    %sqrt3A = math.sqrt %add3A_21 : vector<256x1xf32>
    %div3A_22 = vector.broadcast %sqrt3A : vector<256x1xf32> to vector<256x768xf32>
    %div3A_23 = arith.divf %sub3A_19, %div3A_22 : vector<256x768xf32>
    %mul3A = vector.broadcast %get3A_4 : vector<1x768xf32> to vector<256x768xf32>
    %mul3A_24 = arith.mulf %div3A_23, %mul3A : vector<256x768xf32>
    %add3A_25 = vector.broadcast %get3A_7 : vector<1x768xf32> to vector<256x768xf32>
    %add3A_26 = arith.addf %mul3A_24, %add3A_25 : vector<256x768xf32>
    %swap3A = arith.constant 0 : index
    %swap3A_27 = arith.constant 0 : index
    %swap3A_28 = vector.load %arg4[%swap3A, %swap3A_27] : memref<256x768xf32, #tpu.memory_space<vmem>>, vector<256x768xf32>
    tpu.vector_store %arg4[%swap3A, %swap3A_27], %add3A_26 {strides = array<i32>} : memref<256x768xf32, #tpu.memory_space<vmem>>, vector<256x768xf32>,
    return
  }
  func.func @transform_0(%arg0: i32) -> (i32, i32) {
    %c0_i32 = arith.constant 0 : i32
    %c0_i32_0 = arith.constant 0 : i32
    return %arg0, %c0_i32 : i32, i32
  }
  func.func @transform_1(%arg0: i32) -> (i32, i32) {
    %c0_i32 = arith.constant 0 : i32
    %c0_i32_0 = arith.constant 0 : i32
    %c0_i32_1 = arith.constant 0 : i32
    return %c0_i32, %c0_i32_0 : i32, i32
  }
  func.func @transform_2(%arg0: i32) -> (i32, i32) {
    %c0_i32 = arith.constant 0 : i32
    %c0_i32_0 = arith.constant 0 : i32
    %c0_i32_1 = arith.constant 0 : i32
    return %c0_i32, %c0_i32_0 : i32, i32
  }
  func.func @transform_3(%arg0: i32) -> (i32, i32) {
    %c0_i32 = arith.constant 0 : i32
    %c0_i32_0 = arith.constant 0 : i32
    return %arg0, %c0_i32 : i32, i32
  }
}

module attributes {stable_mosaic.version = 14 : i64} {
  func.func @_k1(%arg0: i32, %arg1: i32, %arg2: memref<256x768xf32, #tpu.memory_space<vmem>>, %arg3: memref<768x768xf32, #tpu.memory_space<vmem>>, %arg4: memref<256x768xf32, #tpu.memory_space<vmem>>) attributes {dimension_semantics = [#tpu.dimension_semantics<arbitrary>, #tpu.dimension_semantics<arbitrary>], iteration_bounds = array<i64: 8, 3>, scalar_prefetch = 0 : i64, scratch_operands = 0 : i64, tpu.core_type = #tpu.core_type<tc>, window_params = [{transform_indices = @transform_0, window_bounds = array<i64: 256, 768>}, {transform_indices = @transform_1, window_bounds = array<i64: 768, 768>}, {transform_indices = @transform_2, window_bounds = array<i64: 256, 768>}]} {
    %get3A = arith.constant 0 : index
    %get3A_0 = arith.constant 0 : index
    %get3A_1 = vector.load %arg2[%get3A, %get3A_0] : memref<256x768xf32, #tpu.memory_space<vmem>>, vector<256x768xf32>
    %get3A_2 = arith.constant 0 : index
    %get3A_3 = arith.constant 0 : index
    %get3A_4 = vector.load %arg3[%get3A_2, %get3A_3] : memref<768x768xf32, #tpu.memory_space<vmem>>, vector<768x768xf32>
    %dot_general3A = arith.constant dense<0.000000e+00> : vector<256x768xf32>
    %dot_general3A_5 = tpu.matmul %get3A_1, %get3A_4, %dot_general3A {dimension_numbers = #tpu.dot_dimension_numbers<[1], [0], [0], [1], [0, 0, 1, 1], [], []>, transpose_lhs_hint = false} : vector<256x768xf32>, vector<768x768xf32>, vector<256x768xf32> -> vector<256x768xf32>
    %swap3A = arith.constant 0 : index
    %swap3A_6 = arith.constant 0 : index
    %swap3A_7 = vector.load %arg4[%swap3A, %swap3A_6] : memref<256x768xf32, #tpu.memory_space<vmem>>, vector<256x768xf32>
    tpu.vector_store %arg4[%swap3A, %swap3A_6], %dot_general3A_5 {strides = array<i32>} : memref<256x768xf32, #tpu.memory_space<vmem>>, vector<256x768xf32>,
    return
  }
  func.func @transform_0(%arg0: i32, %arg1: i32) -> (i32, i32) {
    %c0_i32 = arith.constant 0 : i32
    %c0_i32_0 = arith.constant 0 : i32
    return %arg0, %c0_i32 : i32, i32
  }
  func.func @transform_1(%arg0: i32, %arg1: i32) -> (i32, i32) {
    %c0_i32 = arith.constant 0 : i32
    %c0_i32_0 = arith.constant 0 : i32
    return %c0_i32, %arg1 : i32, i32
  }
  func.func @transform_2(%arg0: i32, %arg1: i32) -> (i32, i32) {
    %c0_i32 = arith.constant 0 : i32
    return %arg0, %arg1 : i32, i32
  }
}

module attributes {stable_mosaic.version = 14 : i64} {
  func.func @_k2(%arg0: i32, %arg1: i32, %arg2: memref<1x256x64xf32, #tpu.memory_space<vmem>>, %arg3: memref<1x2048x64xf32, #tpu.memory_space<vmem>>, %arg4: memref<1x2048x64xf32, #tpu.memory_space<vmem>>, %arg5: memref<1x256x64xf32, #tpu.memory_space<vmem>>) attributes {dimension_semantics = [#tpu.dimension_semantics<arbitrary>, #tpu.dimension_semantics<arbitrary>], iteration_bounds = array<i64: 12, 8>, scalar_prefetch = 0 : i64, scratch_operands = 0 : i64, tpu.core_type = #tpu.core_type<tc>, window_params = [{transform_indices = @transform_0, window_bounds = array<i64: 1, 256, 64>}, {transform_indices = @transform_1, window_bounds = array<i64: 1, 2048, 64>}, {transform_indices = @transform_2, window_bounds = array<i64: 1, 2048, 64>}, {transform_indices = @transform_3, window_bounds = array<i64: 1, 256, 64>}]} {
    %get3A = arith.constant 0 : index
    %get3A_0 = arith.constant 0 : index
    %get3A_1 = arith.constant 0 : index
    %get3A_2 = vector.load %arg2[%get3A, %get3A_0, %get3A_1] : memref<1x256x64xf32, #tpu.memory_space<vmem>>, vector<1x256x64xf32>
    %get3A_3 = vector.shape_cast %get3A_2 : vector<1x256x64xf32> to vector<256x64xf32>
    %get3A_4 = arith.constant 0 : index
    %get3A_5 = arith.constant 0 : index
    %get3A_6 = arith.constant 0 : index
    %get3A_7 = vector.load %arg3[%get3A_4, %get3A_5, %get3A_6] : memref<1x2048x64xf32, #tpu.memory_space<vmem>>, vector<1x2048x64xf32>
    %get3A_8 = vector.shape_cast %get3A_7 : vector<1x2048x64xf32> to vector<2048x64xf32>
    %dot_general3A = arith.constant dense<0.000000e+00> : vector<256x2048xf32>
    %dot_general3A_9 = tpu.matmul %get3A_3, %get3A_8, %dot_general3A {dimension_numbers = #tpu.dot_dimension_numbers<[1], [1], [0], [0], [0, 0, 1, 0], [], []>, transpose_lhs_hint = false} : vector<256x64xf32>, vector<2048x64xf32>, vector<256x2048xf32> -> vector<256x2048xf32>
    %mul3A = arith.constant 1.250000e-01 : f32
    %mul3A_10 = vector.broadcast %mul3A : f32 to vector<256x2048xf32>
    %mul3A_11 = arith.mulf %dot_general3A_9, %mul3A_10 : vector<256x2048xf32>
    %reduce_max3A = arith.constant dense<0xFF800000> : vector<256xf32>
    %reduce_max3A_12 = vector.multi_reduction <maximumf>, %mul3A_11, %reduce_max3A [1] : vector<256x2048xf32> to vector<256xf32>
    %broadcast_in_dim3A = vector.shape_cast %reduce_max3A_12 : vector<256xf32> to vector<256x1xf32>
    %sub3A = vector.broadcast %broadcast_in_dim3A : vector<256x1xf32> to vector<256x2048xf32>
    %sub3A_13 = arith.subf %mul3A_11, %sub3A : vector<256x2048xf32>
    %exp3A = math.exp %sub3A_13 : vector<256x2048xf32>
    %reduce_sum3A = arith.constant dense<0.000000e+00> : vector<256xf32>
    %reduce_sum3A_14 = vector.multi_reduction <add>, %exp3A, %reduce_sum3A [1] : vector<256x2048xf32> to vector<256xf32>
    %broadcast_in_dim3A_15 = vector.shape_cast %reduce_sum3A_14 : vector<256xf32> to vector<256x1xf32>
    %div3A = vector.broadcast %broadcast_in_dim3A_15 : vector<256x1xf32> to vector<256x2048xf32>
    %div3A_16 = arith.divf %exp3A, %div3A : vector<256x2048xf32>
    %get3A_17 = arith.constant 0 : index
    %get3A_18 = arith.constant 0 : index
    %get3A_19 = arith.constant 0 : index
    %get3A_20 = vector.load %arg4[%get3A_17, %get3A_18, %get3A_19] : memref<1x2048x64xf32, #tpu.memory_space<vmem>>, vector<1x2048x64xf32>
    %get3A_21 = vector.shape_cast %get3A_20 : vector<1x2048x64xf32> to vector<2048x64xf32>
    %dot_general3A_22 = arith.constant dense<0.000000e+00> : vector<256x64xf32>
    %dot_general3A_23 = tpu.matmul %div3A_16, %get3A_21, %dot_general3A_22 {dimension_numbers = #tpu.dot_dimension_numbers<[1], [0], [0], [1], [0, 0, 1, 1], [], []>, transpose_lhs_hint = false} : vector<256x2048xf32>, vector<2048x64xf32>, vector<256x64xf32> -> vector<256x64xf32>
    %swap3A = arith.constant 0 : index
    %swap3A_24 = arith.constant 0 : index
    %swap3A_25 = arith.constant 0 : index
    %swap3A_26 = vector.load %arg5[%swap3A, %swap3A_24, %swap3A_25] : memref<1x256x64xf32, #tpu.memory_space<vmem>>, vector<1x256x64xf32>
    %swap3A_27 = vector.shape_cast %swap3A_26 : vector<1x256x64xf32> to vector<256x64xf32>
    %swap3A_28 = vector.shape_cast %dot_general3A_23 : vector<256x64xf32> to vector<1x256x64xf32>
    tpu.vector_store %arg5[%swap3A, %swap3A_24, %swap3A_25], %swap3A_28 {strides = array<i32>} : memref<1x256x64xf32, #tpu.memory_space<vmem>>, vector<1x256x64xf32>,
    return
  }
  func.func @transform_0(%arg0: i32, %arg1: i32) -> (i32, i32, i32) {
    %c0_i32 = arith.constant 0 : i32
    %c0_i32_0 = arith.constant 0 : i32
    return %arg0, %arg1, %c0_i32 : i32, i32, i32
  }
  func.func @transform_1(%arg0: i32, %arg1: i32) -> (i32, i32, i32) {
    %c0_i32 = arith.constant 0 : i32
    %c0_i32_0 = arith.constant 0 : i32
    %c0_i32_1 = arith.constant 0 : i32
    return %arg0, %c0_i32, %c0_i32_0 : i32, i32, i32
  }
  func.func @transform_2(%arg0: i32, %arg1: i32) -> (i32, i32, i32) {
    %c0_i32 = arith.constant 0 : i32
    %c0_i32_0 = arith.constant 0 : i32
    %c0_i32_1 = arith.constant 0 : i32
    return %arg0, %c0_i32, %c0_i32_0 : i32, i32, i32
  }
  func.func @transform_3(%arg0: i32, %arg1: i32) -> (i32, i32, i32) {
    %c0_i32 = arith.constant 0 : i32
    %c0_i32_0 = arith.constant 0 : i32
    return %arg0, %arg1, %c0_i32 : i32, i32, i32
  }
}

module attributes {stable_mosaic.version = 14 : i64} {
  func.func @_k3a(%arg0: i32, %arg1: memref<256x768xf32, #tpu.memory_space<vmem>>, %arg2: memref<256x768xf32, #tpu.memory_space<vmem>>, %arg3: memref<768x768xf32, #tpu.memory_space<vmem>>, %arg4: memref<1x768xf32, #tpu.memory_space<vmem>>, %arg5: memref<1x768xf32, #tpu.memory_space<vmem>>, %arg6: memref<1x768xf32, #tpu.memory_space<vmem>>, %arg7: memref<256x768xf32, #tpu.memory_space<vmem>>, %arg8: memref<256x768xf32, #tpu.memory_space<vmem>>) attributes {dimension_semantics = [#tpu.dimension_semantics<arbitrary>], iteration_bounds = array<i64: 8>, scalar_prefetch = 0 : i64, scratch_operands = 0 : i64, tpu.core_type = #tpu.core_type<tc>, window_params = [{transform_indices = @transform_0, window_bounds = array<i64: 256, 768>}, {transform_indices = @transform_1, window_bounds = array<i64: 256, 768>}, {pipeline_mode = #tpu.pipeline_mode<synchronous>, transform_indices = @transform_2, window_bounds = array<i64: 768, 768>}, {pipeline_mode = #tpu.pipeline_mode<synchronous>, transform_indices = @transform_3, window_bounds = array<i64: 1, 768>}, {pipeline_mode = #tpu.pipeline_mode<synchronous>, transform_indices = @transform_4, window_bounds = array<i64: 1, 768>}, {pipeline_mode = #tpu.pipeline_mode<synchronous>, transform_indices = @transform_5, window_bounds = array<i64: 1, 768>}, {transform_indices = @transform_6, window_bounds = array<i64: 256, 768>}, {transform_indices = @transform_7, window_bounds = array<i64: 256, 768>}]} {
    %get3A = arith.constant 0 : index
    %get3A_0 = arith.constant 0 : index
    %get3A_1 = vector.load %arg1[%get3A, %get3A_0] : memref<256x768xf32, #tpu.memory_space<vmem>>, vector<256x768xf32>
    %get3A_2 = arith.constant 0 : index
    %get3A_3 = arith.constant 0 : index
    %get3A_4 = vector.load %arg2[%get3A_2, %get3A_3] : memref<256x768xf32, #tpu.memory_space<vmem>>, vector<256x768xf32>
    %get3A_5 = arith.constant 0 : index
    %get3A_6 = arith.constant 0 : index
    %get3A_7 = vector.load %arg3[%get3A_5, %get3A_6] : memref<768x768xf32, #tpu.memory_space<vmem>>, vector<768x768xf32>
    %dot_general3A = arith.constant dense<0.000000e+00> : vector<256x768xf32>
    %dot_general3A_8 = tpu.matmul %get3A_4, %get3A_7, %dot_general3A {dimension_numbers = #tpu.dot_dimension_numbers<[1], [0], [0], [1], [0, 0, 1, 1], [], []>, transpose_lhs_hint = false} : vector<256x768xf32>, vector<768x768xf32>, vector<256x768xf32> -> vector<256x768xf32>
    %add3A = arith.addf %get3A_1, %dot_general3A_8 : vector<256x768xf32>
    %get3A_9 = arith.constant 0 : index
    %get3A_10 = arith.constant 0 : index
    %get3A_11 = vector.load %arg4[%get3A_9, %get3A_10] : memref<1x768xf32, #tpu.memory_space<vmem>>, vector<1x768xf32>
    %add3A_12 = vector.broadcast %get3A_11 : vector<1x768xf32> to vector<256x768xf32>
    %add3A_13 = arith.addf %add3A, %add3A_12 : vector<256x768xf32>
    %swap3A = arith.constant 0 : index
    %swap3A_14 = arith.constant 0 : index
    %swap3A_15 = vector.load %arg7[%swap3A, %swap3A_14] : memref<256x768xf32, #tpu.memory_space<vmem>>, vector<256x768xf32>
    tpu.vector_store %arg7[%swap3A, %swap3A_14], %add3A_13 {strides = array<i32>} : memref<256x768xf32, #tpu.memory_space<vmem>>, vector<256x768xf32>,
    %get3A_16 = arith.constant 0 : index
    %get3A_17 = arith.constant 0 : index
    %get3A_18 = vector.load %arg5[%get3A_16, %get3A_17] : memref<1x768xf32, #tpu.memory_space<vmem>>, vector<1x768xf32>
    %get3A_19 = arith.constant 0 : index
    %get3A_20 = arith.constant 0 : index
    %get3A_21 = vector.load %arg6[%get3A_19, %get3A_20] : memref<1x768xf32, #tpu.memory_space<vmem>>, vector<1x768xf32>
    %reduce_sum3A = arith.constant dense<0.000000e+00> : vector<256xf32>
    %reduce_sum3A_22 = vector.multi_reduction <add>, %add3A_13, %reduce_sum3A [1] : vector<256x768xf32> to vector<256xf32>
    %broadcast_in_dim3A = vector.shape_cast %reduce_sum3A_22 : vector<256xf32> to vector<256x1xf32>
    %div3A = arith.constant 7.680000e+02 : f32
    %div3A_23 = vector.broadcast %div3A : f32 to vector<256x1xf32>
    %div3A_24 = arith.divf %broadcast_in_dim3A, %div3A_23 : vector<256x1xf32>
    %sub3A = vector.broadcast %div3A_24 : vector<256x1xf32> to vector<256x768xf32>
    %sub3A_25 = arith.subf %add3A_13, %sub3A : vector<256x768xf32>
    %integer_pow3A = arith.mulf %sub3A_25, %sub3A_25 : vector<256x768xf32>
    %reduce_sum3A_26 = arith.constant dense<0.000000e+00> : vector<256xf32>
    %reduce_sum3A_27 = vector.multi_reduction <add>, %integer_pow3A, %reduce_sum3A_26 [1] : vector<256x768xf32> to vector<256xf32>
    %broadcast_in_dim3A_28 = vector.shape_cast %reduce_sum3A_27 : vector<256xf32> to vector<256x1xf32>
    %div3A_29 = arith.constant 7.680000e+02 : f32
    %div3A_30 = vector.broadcast %div3A_29 : f32 to vector<256x1xf32>
    %div3A_31 = arith.divf %broadcast_in_dim3A_28, %div3A_30 : vector<256x1xf32>
    %sub3A_32 = vector.broadcast %div3A_24 : vector<256x1xf32> to vector<256x768xf32>
    %sub3A_33 = arith.subf %add3A_13, %sub3A_32 : vector<256x768xf32>
    %add3A_34 = arith.constant 9.99999974E-6 : f32
    %add3A_35 = vector.broadcast %add3A_34 : f32 to vector<256x1xf32>
    %add3A_36 = arith.addf %div3A_31, %add3A_35 : vector<256x1xf32>
    %sqrt3A = math.sqrt %add3A_36 : vector<256x1xf32>
    %div3A_37 = vector.broadcast %sqrt3A : vector<256x1xf32> to vector<256x768xf32>
    %div3A_38 = arith.divf %sub3A_33, %div3A_37 : vector<256x768xf32>
    %mul3A = vector.broadcast %get3A_18 : vector<1x768xf32> to vector<256x768xf32>
    %mul3A_39 = arith.mulf %div3A_38, %mul3A : vector<256x768xf32>
    %add3A_40 = vector.broadcast %get3A_21 : vector<1x768xf32> to vector<256x768xf32>
    %add3A_41 = arith.addf %mul3A_39, %add3A_40 : vector<256x768xf32>
    %swap3A_42 = arith.constant 0 : index
    %swap3A_43 = arith.constant 0 : index
    %swap3A_44 = vector.load %arg8[%swap3A_42, %swap3A_43] : memref<256x768xf32, #tpu.memory_space<vmem>>, vector<256x768xf32>
    tpu.vector_store %arg8[%swap3A_42, %swap3A_43], %add3A_41 {strides = array<i32>} : memref<256x768xf32, #tpu.memory_space<vmem>>, vector<256x768xf32>,
    return
  }
  func.func @transform_0(%arg0: i32) -> (i32, i32) {
    %c0_i32 = arith.constant 0 : i32
    %c0_i32_0 = arith.constant 0 : i32
    return %arg0, %c0_i32 : i32, i32
  }
  func.func @transform_1(%arg0: i32) -> (i32, i32) {
    %c0_i32 = arith.constant 0 : i32
    %c0_i32_0 = arith.constant 0 : i32
    return %arg0, %c0_i32 : i32, i32
  }
  func.func @transform_2(%arg0: i32) -> (i32, i32) {
    %c0_i32 = arith.constant 0 : i32
    %c0_i32_0 = arith.constant 0 : i32
    %c0_i32_1 = arith.constant 0 : i32
    return %c0_i32, %c0_i32_0 : i32, i32
  }
  func.func @transform_3(%arg0: i32) -> (i32, i32) {
    %c0_i32 = arith.constant 0 : i32
    %c0_i32_0 = arith.constant 0 : i32
    %c0_i32_1 = arith.constant 0 : i32
    return %c0_i32, %c0_i32_0 : i32, i32
  }
  func.func @transform_4(%arg0: i32) -> (i32, i32) {
    %c0_i32 = arith.constant 0 : i32
    %c0_i32_0 = arith.constant 0 : i32
    %c0_i32_1 = arith.constant 0 : i32
    return %c0_i32, %c0_i32_0 : i32, i32
  }
  func.func @transform_5(%arg0: i32) -> (i32, i32) {
    %c0_i32 = arith.constant 0 : i32
    %c0_i32_0 = arith.constant 0 : i32
    %c0_i32_1 = arith.constant 0 : i32
    return %c0_i32, %c0_i32_0 : i32, i32
  }
  func.func @transform_6(%arg0: i32) -> (i32, i32) {
    %c0_i32 = arith.constant 0 : i32
    %c0_i32_0 = arith.constant 0 : i32
    return %arg0, %c0_i32 : i32, i32
  }
  func.func @transform_7(%arg0: i32) -> (i32, i32) {
    %c0_i32 = arith.constant 0 : i32
    %c0_i32_0 = arith.constant 0 : i32
    return %arg0, %c0_i32 : i32, i32
  }
}

module attributes {stable_mosaic.version = 14 : i64} {
  func.func @_k3(%arg0: i32, %arg1: memref<256x768xf32, #tpu.memory_space<vmem>>, %arg2: memref<768x8xf32, #tpu.memory_space<vmem>>, %arg3: memref<256x8xf32, #tpu.memory_space<vmem>>, %arg4: memref<256x8xf32, #tpu.memory_space<vmem>>) attributes {dimension_semantics = [#tpu.dimension_semantics<arbitrary>], iteration_bounds = array<i64: 8>, scalar_prefetch = 0 : i64, scratch_operands = 0 : i64, tpu.core_type = #tpu.core_type<tc>, window_params = [{transform_indices = @transform_0, window_bounds = array<i64: 256, 768>}, {pipeline_mode = #tpu.pipeline_mode<synchronous>, transform_indices = @transform_1, window_bounds = array<i64: 768, 8>}, {transform_indices = @transform_2, window_bounds = array<i64: 256, 8>}, {transform_indices = @transform_3, window_bounds = array<i64: 256, 8>}]} {
    %get3A = arith.constant 0 : index
    %get3A_0 = arith.constant 0 : index
    %get3A_1 = vector.load %arg1[%get3A, %get3A_0] : memref<256x768xf32, #tpu.memory_space<vmem>>, vector<256x768xf32>
    %get3A_2 = arith.constant 0 : index
    %get3A_3 = arith.constant 0 : index
    %get3A_4 = vector.load %arg2[%get3A_2, %get3A_3] : memref<768x8xf32, #tpu.memory_space<vmem>>, vector<768x8xf32>
    %dot_general3A = arith.constant dense<0.000000e+00> : vector<256x8xf32>
    %dot_general3A_5 = tpu.matmul %get3A_1, %get3A_4, %dot_general3A {dimension_numbers = #tpu.dot_dimension_numbers<[1], [0], [0], [1], [0, 0, 1, 1], [], []>, transpose_lhs_hint = false} : vector<256x768xf32>, vector<768x8xf32>, vector<256x8xf32> -> vector<256x8xf32>
    %reduce_max3A = arith.constant dense<0xFF800000> : vector<256xf32>
    %reduce_max3A_6 = vector.multi_reduction <maximumf>, %dot_general3A_5, %reduce_max3A [1] : vector<256x8xf32> to vector<256xf32>
    %broadcast_in_dim3A = vector.shape_cast %reduce_max3A_6 : vector<256xf32> to vector<256x1xf32>
    %sub3A = vector.broadcast %broadcast_in_dim3A : vector<256x1xf32> to vector<256x8xf32>
    %sub3A_7 = arith.subf %dot_general3A_5, %sub3A : vector<256x8xf32>
    %exp3A = math.exp %sub3A_7 : vector<256x8xf32>
    %reduce_sum3A = arith.constant dense<0.000000e+00> : vector<256xf32>
    %reduce_sum3A_8 = vector.multi_reduction <add>, %exp3A, %reduce_sum3A [1] : vector<256x8xf32> to vector<256xf32>
    %broadcast_in_dim3A_9 = vector.shape_cast %reduce_sum3A_8 : vector<256xf32> to vector<256x1xf32>
    %div3A = vector.broadcast %broadcast_in_dim3A_9 : vector<256x1xf32> to vector<256x8xf32>
    %div3A_10 = arith.divf %exp3A, %div3A : vector<256x8xf32>
    %swap3A = arith.constant 0 : index
    %swap3A_11 = arith.constant 0 : index
    %swap3A_12 = vector.load %arg3[%swap3A, %swap3A_11] : memref<256x8xf32, #tpu.memory_space<vmem>>, vector<256x8xf32>
    tpu.vector_store %arg3[%swap3A, %swap3A_11], %div3A_10 {strides = array<i32>} : memref<256x8xf32, #tpu.memory_space<vmem>>, vector<256x8xf32>,
    %iota3A = tpu.iota {dimensions = array<i32: 1>} : vector<256x8xi32>
    %reduce_max3A_13 = arith.constant dense<0xFF800000> : vector<256xf32>
    %reduce_max3A_14 = vector.multi_reduction <maximumf>, %div3A_10, %reduce_max3A_13 [1] : vector<256x8xf32> to vector<256xf32>
    %broadcast_in_dim3A_15 = vector.shape_cast %reduce_max3A_14 : vector<256xf32> to vector<256x1xf32>
    %eq3A = vector.broadcast %broadcast_in_dim3A_15 : vector<256x1xf32> to vector<256x8xf32>
    %eq3A_16 = arith.cmpf oeq, %div3A_10, %eq3A : vector<256x8xf32>
    %jit3A = arith.constant 8 : i32
    %broadcast_in_dim3A_17 = vector.broadcast %jit3A : i32 to vector<256x8xi32>
    %select_n3A = arith.select %eq3A_16, %iota3A, %broadcast_in_dim3A_17 : vector<256x8xi1>, vector<256x8xi32>
    %reduce_min3A = arith.constant dense<2147483647> : vector<256xi32>
    %reduce_min3A_18 = vector.multi_reduction <minsi>, %select_n3A, %reduce_min3A [1] : vector<256x8xi32> to vector<256xi32>
    %broadcast_in_dim3A_19 = vector.shape_cast %reduce_min3A_18 : vector<256xi32> to vector<256x1xi32>
    %eq3A_20 = vector.broadcast %broadcast_in_dim3A_19 : vector<256x1xi32> to vector<256x8xi32>
    %eq3A_21 = arith.cmpi eq, %iota3A, %eq3A_20 : vector<256x8xi32>
    %jit3A_22 = arith.constant -1.000000e+00 : f32
    %broadcast_in_dim3A_23 = vector.broadcast %jit3A_22 : f32 to vector<256x8xf32>
    %select_n3A_24 = arith.select %eq3A_21, %broadcast_in_dim3A_23, %div3A_10 : vector<256x8xi1>, vector<256x8xf32>
    %reduce_max3A_25 = arith.constant dense<0xFF800000> : vector<256xf32>
    %reduce_max3A_26 = vector.multi_reduction <maximumf>, %select_n3A_24, %reduce_max3A_25 [1] : vector<256x8xf32> to vector<256xf32>
    %broadcast_in_dim3A_27 = vector.shape_cast %reduce_max3A_26 : vector<256xf32> to vector<256x1xf32>
    %eq3A_28 = vector.broadcast %broadcast_in_dim3A_27 : vector<256x1xf32> to vector<256x8xf32>
    %eq3A_29 = arith.cmpf oeq, %select_n3A_24, %eq3A_28 : vector<256x8xf32>
    %jit3A_30 = arith.constant 8 : i32
    %broadcast_in_dim3A_31 = vector.broadcast %jit3A_30 : i32 to vector<256x8xi32>
    %select_n3A_32 = arith.select %eq3A_29, %iota3A, %broadcast_in_dim3A_31 : vector<256x8xi1>, vector<256x8xi32>
    %reduce_min3A_33 = arith.constant dense<2147483647> : vector<256xi32>
    %reduce_min3A_34 = vector.multi_reduction <minsi>, %select_n3A_32, %reduce_min3A_33 [1] : vector<256x8xi32> to vector<256xi32>
    %broadcast_in_dim3A_35 = vector.shape_cast %reduce_min3A_34 : vector<256xi32> to vector<256x1xi32>
    %eq3A_36 = vector.broadcast %broadcast_in_dim3A_35 : vector<256x1xi32> to vector<256x8xi32>
    %eq3A_37 = arith.cmpi eq, %iota3A, %eq3A_36 : vector<256x8xi32>
    %add3A = arith.addf %broadcast_in_dim3A_15, %broadcast_in_dim3A_27 : vector<256x1xf32>
    %div3A_38 = arith.divf %broadcast_in_dim3A_15, %add3A : vector<256x1xf32>
    %div3A_39 = arith.divf %broadcast_in_dim3A_27, %add3A : vector<256x1xf32>
    %jit3A_40 = arith.constant 0.000000e+00 : f32
    %broadcast_in_dim3A_41 = vector.shape_cast %div3A_39 : vector<256x1xf32> to vector<256x1xf32>
    %broadcast_in_dim3A_42 = vector.broadcast %broadcast_in_dim3A_41 : vector<256x1xf32> to vector<256x8xf32>
    %broadcast_in_dim3A_43 = vector.broadcast %jit3A_40 : f32 to vector<256x8xf32>
    %select_n3A_44 = arith.select %eq3A_37, %broadcast_in_dim3A_42, %broadcast_in_dim3A_43 : vector<256x8xi1>, vector<256x8xf32>
    %broadcast_in_dim3A_45 = vector.shape_cast %div3A_38 : vector<256x1xf32> to vector<256x1xf32>
    %broadcast_in_dim3A_46 = vector.broadcast %broadcast_in_dim3A_45 : vector<256x1xf32> to vector<256x8xf32>
    %select_n3A_47 = arith.select %eq3A_21, %broadcast_in_dim3A_46, %select_n3A_44 : vector<256x8xi1>, vector<256x8xf32>
    %swap3A_48 = arith.constant 0 : index
    %swap3A_49 = arith.constant 0 : index
    %swap3A_50 = vector.load %arg4[%swap3A_48, %swap3A_49] : memref<256x8xf32, #tpu.memory_space<vmem>>, vector<256x8xf32>
    tpu.vector_store %arg4[%swap3A_48, %swap3A_49], %select_n3A_47 {strides = array<i32>} : memref<256x8xf32, #tpu.memory_space<vmem>>, vector<256x8xf32>,
    return
  }
  func.func @transform_0(%arg0: i32) -> (i32, i32) {
    %c0_i32 = arith.constant 0 : i32
    %c0_i32_0 = arith.constant 0 : i32
    return %arg0, %c0_i32 : i32, i32
  }
  func.func @transform_1(%arg0: i32) -> (i32, i32) {
    %c0_i32 = arith.constant 0 : i32
    %c0_i32_0 = arith.constant 0 : i32
    %c0_i32_1 = arith.constant 0 : i32
    return %c0_i32, %c0_i32_0 : i32, i32
  }
  func.func @transform_2(%arg0: i32) -> (i32, i32) {
    %c0_i32 = arith.constant 0 : i32
    %c0_i32_0 = arith.constant 0 : i32
    return %arg0, %c0_i32 : i32, i32
  }
  func.func @transform_3(%arg0: i32) -> (i32, i32) {
    %c0_i32 = arith.constant 0 : i32
    %c0_i32_0 = arith.constant 0 : i32
    return %arg0, %c0_i32 : i32, i32
  }
}

module attributes {stable_mosaic.version = 14 : i64} {
  func.func @_k4g(%arg0: i32, %arg1: memref<24xi32, #tpu.memory_space<smem>>, %arg2: memref<1xi32, #tpu.memory_space<smem>>, %arg3: memref<256x768xf32, #tpu.memory_space<vmem>>, %arg4: memref<256x1xf32, #tpu.memory_space<vmem>>, %arg5: memref<256x1xf32, #tpu.memory_space<vmem>>, %arg6: memref<1x768x1024xf32, #tpu.memory_space<vmem>>, %arg7: memref<1x768x1024xf32, #tpu.memory_space<vmem>>, %arg8: memref<1x1024x768xf32, #tpu.memory_space<vmem>>, %arg9: memref<256x768xf32, #tpu.memory_space<vmem>>, %arg10: memref<8x768xf32, #tpu.memory_space<vmem>>) attributes {dimension_semantics = [#tpu.dimension_semantics<arbitrary>], iteration_bounds = array<i64: 24>, scalar_prefetch = 2 : i64, scratch_operands = 0 : i64, tpu.core_type = #tpu.core_type<tc>, window_params = [{transform_indices = @transform_0, window_bounds = array<i64: 256, 768>}, {transform_indices = @transform_1, window_bounds = array<i64: 256, 1>}, {transform_indices = @transform_2, window_bounds = array<i64: 256, 1>}, {transform_indices = @transform_3, window_bounds = array<i64: 1, 768, 1024>}, {transform_indices = @transform_4, window_bounds = array<i64: 1, 768, 1024>}, {transform_indices = @transform_5, window_bounds = array<i64: 1, 1024, 768>}, {transform_indices = @transform_6, window_bounds = array<i64: 256, 768>}, {transform_indices = @transform_7, window_bounds = array<i64: 8, 768>}]} {
    %get3A = arith.constant 0 : index
    %get3A_0 = memref.load %arg2[%get3A] : memref<1xi32, #tpu.memory_space<smem>>
    %lt3A = arith.cmpi slt, %arg0, %get3A_0 : i32
    %convert_element_type3A = arith.extui %lt3A : i1 to i32
    %cond3A = arith.constant 0 : i32
    %cond3A_1 = arith.cmpi ne, %convert_element_type3A, %cond3A : i32
    scf.if %cond3A_1 {
      %get3A_6 = arith.constant 0 : index
      %get3A_7 = arith.constant 0 : index
      %get3A_8 = vector.load %arg3[%get3A_6, %get3A_7] : memref<256x768xf32, #tpu.memory_space<vmem>>, vector<256x768xf32>
      %get3A_9 = arith.constant 0 : index
      %get3A_10 = arith.constant 0 : index
      %get3A_11 = arith.constant 0 : index
      %get3A_12 = vector.load %arg6[%get3A_9, %get3A_10, %get3A_11] : memref<1x768x1024xf32, #tpu.memory_space<vmem>>, vector<1x768x1024xf32>
      %get3A_13 = vector.shape_cast %get3A_12 : vector<1x768x1024xf32> to vector<768x1024xf32>
      %dot_general3A = arith.constant dense<0.000000e+00> : vector<256x1024xf32>
      %dot_general3A_14 = tpu.matmul %get3A_8, %get3A_13, %dot_general3A {dimension_numbers = #tpu.dot_dimension_numbers<[1], [0], [0], [1], [0, 0, 1, 1], [], []>, transpose_lhs_hint = false} : vector<256x768xf32>, vector<768x1024xf32>, vector<256x1024xf32> -> vector<256x1024xf32>
      %neg3A = arith.constant 0.000000e+00 : f32
      %neg3A_15 = vector.broadcast %neg3A : f32 to vector<256x1024xf32>
      %neg3A_16 = arith.subf %neg3A_15, %dot_general3A_14 : vector<256x1024xf32>
      %exp3A = math.exp %neg3A_16 : vector<256x1024xf32>
      %add3A = arith.constant 1.000000e+00 : f32
      %add3A_17 = vector.broadcast %add3A : f32 to vector<256x1024xf32>
      %add3A_18 = arith.addf %add3A_17, %exp3A : vector<256x1024xf32>
      %div3A = arith.constant 1.000000e+00 : f32
      %div3A_19 = vector.broadcast %div3A : f32 to vector<256x1024xf32>
      %div3A_20 = arith.divf %div3A_19, %add3A_18 : vector<256x1024xf32>
      %mul3A = arith.mulf %dot_general3A_14, %div3A_20 : vector<256x1024xf32>
      %get3A_21 = arith.constant 0 : index
      %get3A_22 = arith.constant 0 : index
      %get3A_23 = arith.constant 0 : index
      %get3A_24 = vector.load %arg7[%get3A_21, %get3A_22, %get3A_23] : memref<1x768x1024xf32, #tpu.memory_space<vmem>>, vector<1x768x1024xf32>
      %get3A_25 = vector.shape_cast %get3A_24 : vector<1x768x1024xf32> to vector<768x1024xf32>
      %dot_general3A_26 = arith.constant dense<0.000000e+00> : vector<256x1024xf32>
      %dot_general3A_27 = tpu.matmul %get3A_8, %get3A_25, %dot_general3A_26 {dimension_numbers = #tpu.dot_dimension_numbers<[1], [0], [0], [1], [0, 0, 1, 1], [], []>, transpose_lhs_hint = false} : vector<256x768xf32>, vector<768x1024xf32>, vector<256x1024xf32> -> vector<256x1024xf32>
      %mul3A_28 = arith.mulf %mul3A, %dot_general3A_27 : vector<256x1024xf32>
      %get3A_29 = arith.constant 0 : index
      %get3A_30 = arith.constant 0 : index
      %get3A_31 = arith.constant 0 : index
      %get3A_32 = vector.load %arg8[%get3A_29, %get3A_30, %get3A_31] : memref<1x1024x768xf32, #tpu.memory_space<vmem>>, vector<1x1024x768xf32>
      %get3A_33 = vector.shape_cast %get3A_32 : vector<1x1024x768xf32> to vector<1024x768xf32>
      %dot_general3A_34 = arith.constant dense<0.000000e+00> : vector<256x768xf32>
      %dot_general3A_35 = tpu.matmul %mul3A_28, %get3A_33, %dot_general3A_34 {dimension_numbers = #tpu.dot_dimension_numbers<[1], [0], [0], [1], [0, 0, 1, 1], [], []>, transpose_lhs_hint = false} : vector<256x1024xf32>, vector<1024x768xf32>, vector<256x768xf32> -> vector<256x768xf32>
      %get3A_36 = arith.constant 0 : index
      %get3A_37 = arith.constant 0 : index
      %get3A_38 = vector.load %arg4[%get3A_36, %get3A_37] : memref<256x1xf32, #tpu.memory_space<vmem>>, vector<256x1xf32>
      %mul3A_39 = vector.broadcast %get3A_38 : vector<256x1xf32> to vector<256x768xf32>
      %mul3A_40 = arith.mulf %dot_general3A_35, %mul3A_39 : vector<256x768xf32>
      %swap3A = arith.constant 0 : index
      %swap3A_41 = arith.constant 0 : index
      %swap3A_42 = vector.load %arg9[%swap3A, %swap3A_41] : memref<256x768xf32, #tpu.memory_space<vmem>>, vector<256x768xf32>
      tpu.vector_store %arg9[%swap3A, %swap3A_41], %mul3A_40 {strides = array<i32>} : memref<256x768xf32, #tpu.memory_space<vmem>>, vector<256x768xf32>,
      %get3A_43 = arith.constant 0 : index
      %get3A_44 = arith.constant 0 : index
      %get3A_45 = vector.load %arg5[%get3A_43, %get3A_44] : memref<256x1xf32, #tpu.memory_space<vmem>>, vector<256x1xf32>
      %mul3A_46 = vector.broadcast %get3A_45 : vector<256x1xf32> to vector<256x768xf32>
      %mul3A_47 = arith.mulf %dot_general3A_35, %mul3A_46 : vector<256x768xf32>
      %reduce_sum3A = arith.constant dense<0.000000e+00> : vector<768xf32>
      %reduce_sum3A_48 = vector.multi_reduction <add>, %mul3A_47, %reduce_sum3A [0] : vector<256x768xf32> to vector<768xf32>
      %broadcast_in_dim3A = vector.shape_cast %reduce_sum3A_48 : vector<768xf32> to vector<1x768xf32>
      %iota3A = tpu.iota {dimensions = array<i32: 0>} : vector<8x768xi32>
      %eq3A = arith.constant 0 : i32
      %eq3A_49 = vector.broadcast %eq3A : i32 to vector<8x768xi32>
      %eq3A_50 = arith.cmpi eq, %iota3A, %eq3A_49 : vector<8x768xi32>
      %jit3A = arith.constant 0.000000e+00 : f32
      %broadcast_in_dim3A_51 = vector.shape_cast %broadcast_in_dim3A : vector<1x768xf32> to vector<1x768xf32>
      %broadcast_in_dim3A_52 = vector.broadcast %broadcast_in_dim3A_51 : vector<1x768xf32> to vector<8x768xf32>
      %broadcast_in_dim3A_53 = vector.broadcast %jit3A : f32 to vector<8x768xf32>
      %select_n3A = arith.select %eq3A_50, %broadcast_in_dim3A_52, %broadcast_in_dim3A_53 : vector<8x768xi1>, vector<8x768xf32>
      %swap3A_54 = arith.constant 0 : index
      %swap3A_55 = arith.constant 0 : index
      %swap3A_56 = vector.load %arg10[%swap3A_54, %swap3A_55] : memref<8x768xf32, #tpu.memory_space<vmem>>, vector<8x768xf32>
      tpu.vector_store %arg10[%swap3A_54, %swap3A_55], %select_n3A {strides = array<i32>} : memref<8x768xf32, #tpu.memory_space<vmem>>, vector<8x768xf32>,
    } else {
    }
    %not3A = arith.constant true
    %not3A_2 = arith.xori %lt3A, %not3A : i1
    %convert_element_type3A_3 = arith.extui %not3A_2 : i1 to i32
    %cond3A_4 = arith.constant 0 : i32
    %cond3A_5 = arith.cmpi ne, %convert_element_type3A_3, %cond3A_4 : i32
    scf.if %cond3A_5 {
      %broadcast_in_dim3A = arith.constant 0.000000e+00 : f32
      %broadcast_in_dim3A_6 = vector.broadcast %broadcast_in_dim3A : f32 to vector<256x768xf32>
      %swap3A = arith.constant 0 : index
      %swap3A_7 = arith.constant 0 : index
      %swap3A_8 = vector.load %arg9[%swap3A, %swap3A_7] : memref<256x768xf32, #tpu.memory_space<vmem>>, vector<256x768xf32>
      tpu.vector_store %arg9[%swap3A, %swap3A_7], %broadcast_in_dim3A_6 {strides = array<i32>} : memref<256x768xf32, #tpu.memory_space<vmem>>, vector<256x768xf32>,
      %broadcast_in_dim3A_9 = arith.constant 0.000000e+00 : f32
      %broadcast_in_dim3A_10 = vector.broadcast %broadcast_in_dim3A_9 : f32 to vector<8x768xf32>
      %swap3A_11 = arith.constant 0 : index
      %swap3A_12 = arith.constant 0 : index
      %swap3A_13 = vector.load %arg10[%swap3A_11, %swap3A_12] : memref<8x768xf32, #tpu.memory_space<vmem>>, vector<8x768xf32>
      tpu.vector_store %arg10[%swap3A_11, %swap3A_12], %broadcast_in_dim3A_10 {strides = array<i32>} : memref<8x768xf32, #tpu.memory_space<vmem>>, vector<8x768xf32>,
    } else {
    }
    return
  }
  func.func @transform_0(%arg0: i32, %arg1: memref<24xi32, #tpu.memory_space<smem>>, %arg2: memref<1xi32, #tpu.memory_space<smem>>) -> (i32, i32) {
    %c0_i32 = arith.constant 0 : i32
    %c0_i32_0 = arith.constant 0 : i32
    return %arg0, %c0_i32 : i32, i32
  }
  func.func @transform_1(%arg0: i32, %arg1: memref<24xi32, #tpu.memory_space<smem>>, %arg2: memref<1xi32, #tpu.memory_space<smem>>) -> (i32, i32) {
    %c0_i32 = arith.constant 0 : i32
    %c0_i32_0 = arith.constant 0 : i32
    return %arg0, %c0_i32 : i32, i32
  }
  func.func @transform_2(%arg0: i32, %arg1: memref<24xi32, #tpu.memory_space<smem>>, %arg2: memref<1xi32, #tpu.memory_space<smem>>) -> (i32, i32) {
    %c0_i32 = arith.constant 0 : i32
    %c0_i32_0 = arith.constant 0 : i32
    return %arg0, %c0_i32 : i32, i32
  }
  func.func @transform_3(%arg0: i32, %arg1: memref<24xi32, #tpu.memory_space<smem>>, %arg2: memref<1xi32, #tpu.memory_space<smem>>) -> (i32, i32, i32) {
    %get3A = arith.index_cast %arg0 : i32 to index
    %get3A_0 = memref.load %arg1[%get3A] : memref<24xi32, #tpu.memory_space<smem>>
    %c0_i32 = arith.constant 0 : i32
    %c0_i32_1 = arith.constant 0 : i32
    %c0_i32_2 = arith.constant 0 : i32
    return %get3A_0, %c0_i32, %c0_i32_1 : i32, i32, i32
  }
  func.func @transform_4(%arg0: i32, %arg1: memref<24xi32, #tpu.memory_space<smem>>, %arg2: memref<1xi32, #tpu.memory_space<smem>>) -> (i32, i32, i32) {
    %get3A = arith.index_cast %arg0 : i32 to index
    %get3A_0 = memref.load %arg1[%get3A] : memref<24xi32, #tpu.memory_space<smem>>
    %c0_i32 = arith.constant 0 : i32
    %c0_i32_1 = arith.constant 0 : i32
    %c0_i32_2 = arith.constant 0 : i32
    return %get3A_0, %c0_i32, %c0_i32_1 : i32, i32, i32
  }
  func.func @transform_5(%arg0: i32, %arg1: memref<24xi32, #tpu.memory_space<smem>>, %arg2: memref<1xi32, #tpu.memory_space<smem>>) -> (i32, i32, i32) {
    %get3A = arith.index_cast %arg0 : i32 to index
    %get3A_0 = memref.load %arg1[%get3A] : memref<24xi32, #tpu.memory_space<smem>>
    %c0_i32 = arith.constant 0 : i32
    %c0_i32_1 = arith.constant 0 : i32
    %c0_i32_2 = arith.constant 0 : i32
    return %get3A_0, %c0_i32, %c0_i32_1 : i32, i32, i32
  }
  func.func @transform_6(%arg0: i32, %arg1: memref<24xi32, #tpu.memory_space<smem>>, %arg2: memref<1xi32, #tpu.memory_space<smem>>) -> (i32, i32) {
    %c0_i32 = arith.constant 0 : i32
    %c0_i32_0 = arith.constant 0 : i32
    return %arg0, %c0_i32 : i32, i32
  }
  func.func @transform_7(%arg0: i32, %arg1: memref<24xi32, #tpu.memory_space<smem>>, %arg2: memref<1xi32, #tpu.memory_space<smem>>) -> (i32, i32) {
    %c0_i32 = arith.constant 0 : i32
    %c0_i32_0 = arith.constant 0 : i32
    return %arg0, %c0_i32 : i32, i32
  }
}

module attributes {stable_mosaic.version = 14 : i64} {
  func.func @_k5(%arg0: i32, %arg1: memref<8x192xf32, #tpu.memory_space<vmem>>, %arg2: memref<192x768xf32, #tpu.memory_space<vmem>>, %arg3: memref<768x1xf32, #tpu.memory_space<vmem>>, %arg4: memref<1x1xf32, #tpu.memory_space<vmem>>, %arg5: memref<8x1xf32, #tpu.memory_space<vmem>>) attributes {dimension_semantics = [#tpu.dimension_semantics<arbitrary>], iteration_bounds = array<i64: 1>, scalar_prefetch = 0 : i64, scratch_operands = 0 : i64, tpu.core_type = #tpu.core_type<tc>, window_params = [{pipeline_mode = #tpu.pipeline_mode<synchronous>, transform_indices = @transform_0, window_bounds = array<i64: 8, 192>}, {pipeline_mode = #tpu.pipeline_mode<synchronous>, transform_indices = @transform_1, window_bounds = array<i64: 192, 768>}, {pipeline_mode = #tpu.pipeline_mode<synchronous>, transform_indices = @transform_2, window_bounds = array<i64: 768, 1>}, {pipeline_mode = #tpu.pipeline_mode<synchronous>, transform_indices = @transform_3, window_bounds = array<i64: 1, 1>}, {pipeline_mode = #tpu.pipeline_mode<synchronous>, transform_indices = @transform_4, window_bounds = array<i64: 8, 1>}]} {
    %get3A = arith.constant 0 : index
    %get3A_0 = arith.constant 0 : index
    %get3A_1 = vector.load %arg1[%get3A, %get3A_0] : memref<8x192xf32, #tpu.memory_space<vmem>>, vector<8x192xf32>
    %get3A_2 = arith.constant 0 : index
    %get3A_3 = arith.constant 0 : index
    %get3A_4 = vector.load %arg2[%get3A_2, %get3A_3] : memref<192x768xf32, #tpu.memory_space<vmem>>, vector<192x768xf32>
    %dot_general3A = arith.constant dense<0.000000e+00> : vector<8x768xf32>
    %dot_general3A_5 = tpu.matmul %get3A_1, %get3A_4, %dot_general3A {dimension_numbers = #tpu.dot_dimension_numbers<[1], [0], [0], [1], [0, 0, 1, 1], [], []>, transpose_lhs_hint = false} : vector<8x192xf32>, vector<192x768xf32>, vector<8x768xf32> -> vector<8x768xf32>
    %get3A_6 = arith.constant 0 : index
    %get3A_7 = arith.constant 0 : index
    %get3A_8 = vector.load %arg3[%get3A_6, %get3A_7] : memref<768x1xf32, #tpu.memory_space<vmem>>, vector<768x1xf32>
    %dot_general3A_9 = arith.constant dense<0.000000e+00> : vector<8x1xf32>
    %dot_general3A_10 = tpu.matmul %dot_general3A_5, %get3A_8, %dot_general3A_9 {dimension_numbers = #tpu.dot_dimension_numbers<[1], [0], [0], [1], [0, 0, 1, 1], [], []>, transpose_lhs_hint = false} : vector<8x768xf32>, vector<768x1xf32>, vector<8x1xf32> -> vector<8x1xf32>
    %get3A_11 = arith.constant 0 : index
    %get3A_12 = arith.constant 0 : index
    %get3A_13 = vector.load %arg4[%get3A_11, %get3A_12] : memref<1x1xf32, #tpu.memory_space<vmem>>, vector<1x1xf32>
    %add3A = vector.broadcast %get3A_13 : vector<1x1xf32> to vector<8x1xf32>
    %add3A_14 = arith.addf %dot_general3A_10, %add3A : vector<8x1xf32>
    %swap3A = arith.constant 0 : index
    %swap3A_15 = arith.constant 0 : index
    %swap3A_16 = vector.load %arg5[%swap3A, %swap3A_15] : memref<8x1xf32, #tpu.memory_space<vmem>>, vector<8x1xf32>
    tpu.vector_store %arg5[%swap3A, %swap3A_15], %add3A_14 {strides = array<i32>} : memref<8x1xf32, #tpu.memory_space<vmem>>, vector<8x1xf32>,
    return
  }
  func.func @transform_0(%arg0: i32) -> (i32, i32) {
    %c0_i32 = arith.constant 0 : i32
    %c0_i32_0 = arith.constant 0 : i32
    %c0_i32_1 = arith.constant 0 : i32
    return %c0_i32, %c0_i32_0 : i32, i32
  }
  func.func @transform_1(%arg0: i32) -> (i32, i32) {
    %c0_i32 = arith.constant 0 : i32
    %c0_i32_0 = arith.constant 0 : i32
    %c0_i32_1 = arith.constant 0 : i32
    return %c0_i32, %c0_i32_0 : i32, i32
  }
  func.func @transform_2(%arg0: i32) -> (i32, i32) {
    %c0_i32 = arith.constant 0 : i32
    %c0_i32_0 = arith.constant 0 : i32
    %c0_i32_1 = arith.constant 0 : i32
    return %c0_i32, %c0_i32_0 : i32, i32
  }
  func.func @transform_3(%arg0: i32) -> (i32, i32) {
    %c0_i32 = arith.constant 0 : i32
    %c0_i32_0 = arith.constant 0 : i32
    %c0_i32_1 = arith.constant 0 : i32
    return %c0_i32, %c0_i32_0 : i32, i32
  }
  func.func @transform_4(%arg0: i32) -> (i32, i32) {
    %c0_i32 = arith.constant 0 : i32
    %c0_i32_0 = arith.constant 0 : i32
    %c0_i32_1 = arith.constant 0 : i32
    return %c0_i32, %c0_i32_0 : i32, i32
  }
}

module attributes {stable_mosaic.version = 14 : i64} {
  func.func @_k6(%arg0: i32, %arg1: memref<512x768xf32, #tpu.memory_space<vmem>>, %arg2: memref<512x768xf32, #tpu.memory_space<vmem>>, %arg3: memref<512x768xf32, #tpu.memory_space<vmem>>, %arg4: memref<512x768xf32, #tpu.memory_space<vmem>>) attributes {dimension_semantics = [#tpu.dimension_semantics<arbitrary>], iteration_bounds = array<i64: 4>, scalar_prefetch = 0 : i64, scratch_operands = 0 : i64, tpu.core_type = #tpu.core_type<tc>, window_params = [{transform_indices = @transform_0, window_bounds = array<i64: 512, 768>}, {transform_indices = @transform_1, window_bounds = array<i64: 512, 768>}, {transform_indices = @transform_2, window_bounds = array<i64: 512, 768>}, {transform_indices = @transform_3, window_bounds = array<i64: 512, 768>}]} {
    %get3A = arith.constant 0 : index
    %get3A_0 = arith.constant 0 : index
    %get3A_1 = vector.load %arg1[%get3A, %get3A_0] : memref<512x768xf32, #tpu.memory_space<vmem>>, vector<512x768xf32>
    %get3A_2 = arith.constant 0 : index
    %get3A_3 = arith.constant 0 : index
    %get3A_4 = vector.load %arg2[%get3A_2, %get3A_3] : memref<512x768xf32, #tpu.memory_space<vmem>>, vector<512x768xf32>
    %add3A = arith.addf %get3A_1, %get3A_4 : vector<512x768xf32>
    %get3A_5 = arith.constant 0 : index
    %get3A_6 = arith.constant 0 : index
    %get3A_7 = vector.load %arg3[%get3A_5, %get3A_6] : memref<512x768xf32, #tpu.memory_space<vmem>>, vector<512x768xf32>
    %add3A_8 = arith.addf %add3A, %get3A_7 : vector<512x768xf32>
    %swap3A = arith.constant 0 : index
    %swap3A_9 = arith.constant 0 : index
    %swap3A_10 = vector.load %arg4[%swap3A, %swap3A_9] : memref<512x768xf32, #tpu.memory_space<vmem>>, vector<512x768xf32>
    tpu.vector_store %arg4[%swap3A, %swap3A_9], %add3A_8 {strides = array<i32>} : memref<512x768xf32, #tpu.memory_space<vmem>>, vector<512x768xf32>,
    return
  }
  func.func @transform_0(%arg0: i32) -> (i32, i32) {
    %c0_i32 = arith.constant 0 : i32
    %c0_i32_0 = arith.constant 0 : i32
    return %arg0, %c0_i32 : i32, i32
  }
  func.func @transform_1(%arg0: i32) -> (i32, i32) {
    %c0_i32 = arith.constant 0 : i32
    %c0_i32_0 = arith.constant 0 : i32
    return %arg0, %c0_i32 : i32, i32
  }
  func.func @transform_2(%arg0: i32) -> (i32, i32) {
    %c0_i32 = arith.constant 0 : i32
    %c0_i32_0 = arith.constant 0 : i32
    return %arg0, %c0_i32 : i32, i32
  }
  func.func @transform_3(%arg0: i32) -> (i32, i32) {
    %c0_i32 = arith.constant 0 : i32
    %c0_i32_0 = arith.constant 0 : i32
    return %arg0, %c0_i32 : i32, i32
  }
}

</mosaic_0001>

<sc_bundles>
// kernel: gather_offload_async_start
scs
__scs_entry_jumppad:
0x0: {  	(pc) =	sbr.rel $0x88, $3  }
0x1: {  	(tag) =	ssettag $0x0;
	lr =	simm.s32 $0x1  }
0x2: {  	[smem:$0x3F8F] =	sst lr;
	_ =	strace $0xD0000000  }
0x3: {  	_ = 	snop  }
0x4: {  	_ = 	snop  }
0x5: {  	_ = 	snop  }
0x6: {  	_ = 	snop  }
0x7: {  	_ = 	snop  }
__scs_overlays_trampoline_lowered:
0x8: {  	[smem:$0x3F9E] =	sst s0  }
0x9: {  	[smem:$0x3F9F] =	sst s1  }
0xa: {  	[smem:$0x3FA0] =	sst s2  }
0xb: {  	[smem:$0x3FA1] =	sst s3  }
0xc: {  	[smem:$0x3FA2] =	sst s4  }
0xd: {  	[smem:$0x3FA3] =	sst s5  }
0xe: {  	[smem:$0x3FA4] =	sst s6  }
0xf: {  	[smem:$0x3FA5] =	sst s7  }
0x10: {  	[smem:$0x3FA6] =	sst s8  }
0x11: {  	[smem:$0x3FA7] =	sst s9;
	s0 =	simm.s32 @!p0 $0x0  }
0x12: {  	s1 =	sld [smem:$0x3F8D];
	s0 =	simm.s32 @p0 $0x1  }
0x13: {  	[smem:$0x3FA8] =	sst s0;
	s0 =	simm.s32 @!p1 $0x0  }
0x14: {  	s2 =	sld [smem:$0x3F8C];
	s0 =	simm.s32 @p1 $0x1  }
0x15: {  	[smem:$0x3FA9] =	sst s0;
	s0 =	simm.s32 @!p2 $0x0  }
0x16: {  	s3 =	sld [smem:$0x3FDB];
	s0 =	simm.s32 @p2 $0x1  }
0x17: {  	s4 =	simm.s32 $0x1BF5;
	[smem:$0x3FAB] =	sst s0  }
0x18: {  	s0 =	sld [smem:$0x3F8E];
	_ =	swait.ge [sflag:s4], $0x0  }
0x19: {  	s7 =	sld [smem:$0x3F8F]  }
0x1a: {  	s8 =	sadd.s32 $0xFFFFE003, lr  }
0x1b: {  	s9 =	sadd.s32 $0xFFFFFEF7, lr;
	s5 =	simm.s32 $0xFFFFFFFF;
	p2 =	slt.u32 s8, $0xFFFFF086  }
0x1c: {  	p1 =	slt.u32 s9, $0xF7A;
	s5 =	simm.s32 @!p2 $0x0  }
0x1d: {  	s5 =	simm.s32 @p1 $0x1;
	p0 =	seq.s32 s7, s2  }
0x1e: {  	s7 =	smul.u32 @!p0 $0xF7A, s2;
	p2 =	seq.s32 @!p0 s5, $0x0  }
0x1f: {  	s9 =	smul.u32 $0xF7A, s1;
	s8 =	simm.s32 @!p0 $0x1BF5;
	p2 =	por !p2, p0  }
0x20: {  	[sflag:s8] =	ssyncset.s32 @!p0 $0xFFFFF086;
	s6 =	sadd.s32 @!p0 s3, s7;
	s7 =	simm.s32 @!p0 $0x108  }
0x21: {  	s3 =	sadd.s32 s3, s9;
	s6 =	sadd.s32 @!p0 $0x88, s6;
	s7 =	simm.s32 @p2 $0x1082  }
0x22: {  	[simem:s7], [sflag:s8] =	dma.local @!p0 [hbm:s6], $0xF7A  }
0x23: {  	s9 =	sor.u32 $0xD0000000, s2;
	s6 =	simm.s32 $0x108;
	_ =	swait.ge @!p0 [sflag:s8], $0x0  }
0x24: {  	s3 =	sadd.s32 $0x88, s3;
	s6 =	simm.s32 @!p1 $0x1082;
	[sflag:s4] =	ssyncset.s32 $0xFFFFF086  }
0x25: {  	[simem:s6], [sflag:s4] =	dma.local [hbm:s3], $0xF7A  }
0x26: {  	[smem:$0x3F8F] =	sst s1;
	(tag) =	ssettag s2;
	_ =	strace s9  }
0x27: {  	s1 =	sld [smem:$0x3F9F]  }
0x28: {  	s2 =	sld [smem:$0x3FA0]  }
0x29: {  	s4 =	sld [smem:$0x3FA2]  }
0x2a: {  	p0 =	seq.s32 s5, $0x0;
	s5 =	sld [smem:$0x3FA3]  }
0x2b: {  	s6 =	sld [smem:$0x3FA4]  }
0x2c: {  	s7 =	sld [smem:$0x3FA5]  }
0x2d: {  	s3 =	simm.s32 $0x108;
	s8 =	sld [smem:$0x3FA6]  }
0x2e: {  	s3 =	simm.s32 @!p0 $0x1082;
	s9 =	sld [smem:$0x3FA7]  }
0x2f: {  	lr =	sadd.s32 s0, s3;
	s0 =	sld [smem:$0x3F9E]  }
0x30: {  	s3 =	sld [smem:$0x3FA1]  }
0x31: {  	[smem:$0x3FAA] =	sst s10  }
0x32: {  	s10 =	sld [smem:$0x3FA8];
	_ =	sdelay $0x3  }
0x33: {  	p0 =	seq.s32 s10, $0x1;
	s10 =	sld [smem:$0x3FAA];
	_ =	sdelay $0x3  }
0x34: {  	[smem:$0x3FAA] =	sst s10  }
0x35: {  	s10 =	sld [smem:$0x3FA9];
	_ =	sdelay $0x3  }
0x36: {  	p1 =	seq.s32 s10, $0x1;
	s10 =	sld [smem:$0x3FAA];
	_ =	sdelay $0x3  }
0x37: {  	[smem:$0x3FAA] =	sst s10  }
0x38: {  	s10 =	sld [smem:$0x3FAB]  }
0x39: {  	_ = 	snop;
	(pc) =	sbr.ind lr, $3  }
0x3a: {  	_ = 	snop  }
0x3b: {  	_ = 	snop  }
0x3c: {  	p2 =	seq.s32 s10, $0x1;
	s10 =	sld [smem:$0x3FAA]  }
0x3d: {  	_ =	shalt  }
0x3e: {  	_ =	shalt  }
0x3f: {  	_ =	shalt  }
0x40: {  	_ =	shalt  }
0x41: {  	_ =	shalt  }
0x42: {  	_ =	shalt  }
0x43: {  	_ =	shalt  }
0x44: {  	_ =	shalt  }
0x45: {  	_ =	shalt  }
0x46: {  	_ =	shalt  }
0x47: {  	_ =	shalt  }
0x48: {  	_ =	shalt  }
0x49: {  	_ =	shalt  }
0x4a: {  	_ =	shalt  }
0x4b: {  	_ =	shalt  }
0x4c: {  	_ =	shalt  }
0x4d: {  	_ =	shalt  }
0x4e: {  	_ =	shalt  }
0x4f: {  	_ =	shalt  }
0x50: {  	_ =	shalt  }
0x51: {  	_ =	shalt  }
0x52: {  	_ =	shalt  }
0x53: {  	_ =	shalt  }
0x54: {  	_ =	shalt  }
0x55: {  	_ =	shalt  }
0x56: {  	_ =	shalt  }
0x57: {  	_ =	shalt  }
0x58: {  	_ =	shalt  }
0x59: {  	_ =	shalt  }
0x5a: {  	_ =	shalt  }
0x5b: {  	_ =	shalt  }
0x5c: {  	_ =	shalt  }
0x5d: {  	_ =	shalt  }
0x5e: {  	_ =	shalt  }
0x5f: {  	_ =	shalt  }
0x60: {  	_ =	shalt  }
0x61: {  	_ =	shalt  }
0x62: {  	_ =	shalt  }
0x63: {  	_ =	shalt  }
0x64: {  	_ =	shalt  }
0x65: {  	_ =	shalt  }
0x66: {  	_ =	shalt  }
0x67: {  	_ =	shalt  }
0x68: {  	_ =	shalt  }
0x69: {  	_ =	shalt  }
0x6a: {  	_ =	shalt  }
0x6b: {  	_ =	shalt  }
0x6c: {  	_ =	shalt  }
0x6d: {  	_ =	shalt  }
0x6e: {  	_ =	shalt  }
0x6f: {  	_ =	shalt  }
0x70: {  	_ =	shalt  }
0x71: {  	_ =	shalt  }
0x72: {  	_ =	shalt  }
0x73: {  	_ =	shalt  }
0x74: {  	_ =	shalt  }
0x75: {  	_ =	shalt  }
0x76: {  	_ =	shalt  }
0x77: {  	_ =	shalt  }
0x78: {  	_ =	shalt  }
0x79: {  	_ =	shalt  }
0x7a: {  	_ =	shalt  }
0x7b: {  	_ =	shalt  }
0x7c: {  	_ =	shalt  }
0x7d: {  	_ =	shalt  }
0x7e: {  	_ =	shalt  }
0x7f: {  	_ =	shalt  }
0x80: {  	_ =	shalt  }
0x81: {  	_ =	shalt  }
0x82: {  	_ =	shalt  }
0x83: {  	_ =	shalt  }
0x84: {  	_ =	shalt  }
0x85: {  	_ =	shalt  }
0x86: {  	_ =	shalt  }
0x87: {  	_ =	shalt  }
.Lfunc_end0:
.L_simem_size_0:
called_computation_lowered:
.L_overlay_start_0:
0x88: {  	s2 =	sld [smem:$0x3FD9]  }
0x89: {  	s3 =	sld [smem:$0x3FFE];
	_ =	sdelay $0x1  }
0x8a: {  	s1 =	srdreg.scid  }
0x8b: {  	s0 =	sand.u32 $0x1, s1  }
0x8c: {  	s14 =	sshll.u32 s0, $0xA;
	s2 =	sadd.s32 s3, s2  }
0x8d: {  	s2 =	sadd.s32 s2, s14  }
0x8e: {  	[smem:$0x3FB6] =	sst s2  }
0x8f: {  	_ = 	snop  }
0x90: {  	s2 =	sld [smem:$0x3FD0];
	_ =	sdelay $0x2  }
0x91: {  	s15 =	simm.s32 $0xA;
	s4 =	simm.s32 $0x10  }
0x92: {  	[smem:s4], [sflag:s15] =	dma.local [hbm:s2], $0x1  }
0x93: {  	_ =	swait.eq [sflag:s15], $0x1  }
0x94: {  	[sflag:s15] =	ssyncset.done $0x0  }
0x95: {  	[sflag:s15] =	ssyncadd.s32 $0xFFFFFFFF  }
0x96: {  	s16 =	sld [smem:$0x12];
	(tm) =	ssettm $0x1  }
0x97: {  	s17 =	sld [smem:$0x3FFB];
	_ =	sdelay $0x3  }
0x98: {  	_ =	strace s17  }
0x99: {  	s3 =	sld [smem:$0x3FFC];
	_ =	sdelay $0x3  }
0x9a: {  	_ =	strace s3  }
0x9b: {  	s3 =	sld [smem:$0x3FFD];
	_ =	sdelay $0x3  }
0x9c: {  	_ =	strace s3  }
0x9d: {  	_ =	strace $0x8FFFFFFF  }
0x9e: {  	s18 =	sld [smem:$0x3FDB];
	_ =	sdelay $0x1  }
0x9f: {  	s19 =	simm.s32 $_scs_section_size  }
0xa0: {  	s5 =	simm.s32 $_size__tile_overlayer_lowered;
	s6 =	simm.s32 $_tile_overlayer_lowered  }
0xa1: {  	s22 =	simm.s32 $0x1BFF;
	s21 =	sshll.u32 s6, $0x1;
	s3 =	sadd.s32 s19, s18  }
0xa2: {  	s7 =	simm.s32 $0x0;
	s20 =	sshll.u32 s5, $0x1;
	s5 =	sadd.s32 s21, s3  }
0xa3: {  	[timem:s7], [sflag:s22] =	dma.local [hbm:s5], s20  }
0xa4: {  	_ =	swait.ge [sflag:s22], s20  }
0xa5: {  	s4 =	ssub.s32 $0x0, s20;
	[sflag:s22] =	ssyncset.done $0x0  }
0xa6: {  	[sflag:s22] =	ssyncadd.s32 s4;
	_ =	sdelay $0x1  }
0xa7: {  	s23 =	simm.s32 $0x1B8B  }
0xa8: {  	_ =	swait.ge [sflag:s23], $0x1  }
0xa9: {  	[sflag:s23] =	ssyncset.done $0x0  }
0xaa: {  	s25 =	simm.s32 $0x1B8E;
	s24 =	sld [smem:$0x3FFE];
	[sflag:s23] =	ssyncadd.s32 $0xFFFFFFFF  }
0xab: {  	s26 =	simm.s32 $execute0_lowered;
	[smem:$0x3FD2] =	sst s25  }
0xac: {  	s5 =	sshll.u32 s26, $0x1;
	_ =	strace $0x80000046;
	[dreg:$0x1] =	wrdreg $0xFFFFFFFF  }
0xad: {  	s28 =	simm.s32 $_size_execute0_lowered;
	s3 =	sadd.s32 s3, s5;
	[dreg:$0x0] =	wrdreg $0x0  }
0xae: {  	s5 =	sshll.u32 s28, $0x1;
	[dreg:$0x2] =	wrdreg s3  }
0xaf: {  	[dreg:$0x3] =	wrdreg s5  }
0xb0: {  	[dreg:$0x4] =	wrdreg $0xC0  }
0xb1: {  	_ =	task [dreg:s7], $0x5FFFF  }
0xb2: {  	[dreg:$0x1] =	wrdreg $0xFFFFFFFF  }
0xb3: {  	[dreg:$0x0] =	wrdreg $0x60  }
0xb4: {  	[dreg:$0x2] =	wrdreg s24  }
0xb5: {  	[dreg:$0x3] =	wrdreg s16  }
0xb6: {  	[dreg:$0x4] =	wrdreg $0x9  }
0xb7: {  	_ =	task.clear_ibuf [dreg:s7], $0x5FFFF;
	_ =	strace $0x90000046  }
0xb8: {  	s29 =	simm.s32 $0x9;
	_ =	strace $0x80000048  }
0xb9: {  	_ =	swait.ge [sflag:s29], $0x1  }
0xba: {  	[sflag:s29] =	ssyncadd.s32 $0xFFFFFFFF  }
0xbb: {  	_ =	strace $0x90000048  }
0xbc: {  	_ =	sfence  }
0xbd: {  	s30 =	sld [smem:$0x0];
	_ =	sdelay $0x2  }
0xbe: {  	s31 =	sshll.u32 s1, $0xD;
	s1 =	sshrl.u32 s1, $0x2  }
0xbf: {  	s3 =	sand.u32 $0x4000, s31;
	s1 =	sadd.s32 s1, s30  }
0xc0: {  	s0 =	sor.u32 s3, s0;
	s1 =	sshll.u32 s1, $0x11  }
0xc1: {  	s0 =	sor.u32 s1, s0  }
0xc2: {  	s0 =	sadd.s32 $0x8F2B, s0  }
0xc3: {  	[sflag:s0] =	ssyncadd.remote.s32 $0x1  }
0xc4: {  	_ =	sfence.sel $0xFFFF  }
0xc5: {  	[dreg:$0x0] =	wrdreg $0xFFFFFFFF;
	(pc) =	sbr.abs _section_cstart, $3  }
0xc6: {  	[dreg:$0x1] =	wrdreg $0xFFFFFFFF  }
0xc7: {  	_ =	task.clear_ibuf [dreg:s7], $0x2FFFF;
	_ =	strace $0x9FFFFFFF  }
0xc8: {  	(tm) =	ssettm $0x7FFFFFFF  }
0xc9: {  	_ =	shalt  }
tec
execute0_lowered:
.L_overlay_start_1:
0x0: {  	(tag) =	ssettag $0x1  }
0x1: {  	s1 =	srdreg.scid;
	s2 =	rddreg [dreg:$0x0]  }
0x2: {  	s0 =	stileid.u32;
	s3 =	rddreg [dreg:$0x1]  }
0x3: {  	s6 =	simm.s32 $0x1;
	s9 =	simm.s32 $0x1;
	s1 =	sshll.u32 s1, $0x6  }
0x4: {  	s10 =	simm.s32 $0x3;
	s4 =	sshll.u32 s0, $0x7;
	s5 =	sand.u32 $0x40, s1  }
0x5: {  	s13 =	simm.s32 $0x0;
	s12 =	simm.s32 $0x0;
	s4 =	sor.u32 s4, s5  }
0x6: {  	s1 =	rddreg [dreg:$0x2];
	_ =	strace $0x80000047;
	s8 =	ssub.s32 $0x1000, s4  }
.Ltmp0:
0x7: {  	s5 =	sadd.s32 $0x10000, s2;
	s7 =	sand.u32 $0x7C0, s8;
	(pc) =	sbr.rel .LBB2_1-.Ltmp0, $4  }
0x8: {  	[sflag:s6] =	ssyncpa.u1 $0x0;
	s11 =	smov.u32 s4;
	p0 =	sne.s32 s7, $0x0  }
0x9: {  	s8 =	sshrl.u32 s8, $0xB;
	s7 =	simm.s32 $0x2;
	s9 =	simm.s32 @!p0 $0x0  }
0xa: {  	[sflag:s7] =	ssyncpa.u1 $0x0;
	p0 =	por $0x0, $0x0;
	s8 =	sadd.s32 s9, s8  }
0xb: {  	vm0 =	vmmov $0xffff;
	[sflag:s10] =	ssyncpa.u1 $0x0;
	s10 =	simm.s32 $0x0;
	s9 =	sadd.s32 $0x1, s8  }
.LBB2_4:
0xc: {  	v5 =	vshrl.u32 v1, $0xC;
	v6 =	vshll.u32 v1, $0x7  }
0xd: {  	vm1 =	veq.s32 v1, $0x80000000;
	v58 =	vand.u32 $0x7, v5;
	v59 =	vand.u32 $0x7FF80, v6  }
0xe: {  	v1 =	vsel vm1, $0xFFFFFFFF, v58;
	v5 =	vsel vm1, $0xFFFFFF80, v59  }
0xf: {  	v3 =	vor.u32 v4, v3;
	v60 =	vand.u32 $0xFFFFFC00, v5;
	v61 =	vand.u32 $0xFFFFFC00, v1  }
0x10: {  	v2 =	vor.u32 v2, v3;
	v63 =	vand.u32 $0x380, v5;
	v62 =	vadd.s32 v61, v60  }
0x11: {  	v1 =	vand.u32 $0x7F, v1;
	v3 =	vor.u32 v63, v62  }
0x12: {  	v1 =	vor.u32 v1, v3  }
0x13: {  	[tilespmem:s15], [sflag:$0x1] =	stream.indirect_vreg.gather [hbm4b:s2+s10], $0x1, v0, vm0, $0x4038;
	[tilespmem:$0x100] =	vst v63  }
0x14: {  	(ifvalue) =	ssetifvalue $0x7FFFFFFF  }
0x15: {  	[tilespmem:s16], [sflag:$0x1] =	stream.indirect_vreg.gather [hbm4b:s2+s10], $0x1, v2, vm0, $0x4038;
	[tilespmem:$0x100] =	vst v63  }
0x16: {  	s29 =	sadd.s32 $0x10, s16;
	(ifvalue) =	ssetifvalue $0x7FFFFFFF  }
0x17: {  	[tilespmem:s29], [sflag:$0x1] =	stream.indirect_vreg.gather [hbm4b:s2+s10], $0x1, v1, vm0, $0x4038;
	[tilespmem:$0x100] =	vst v63  }
0x18: {  	_ =	swait.ge [sflag:s6], $0x40  }
0x19: {  	s30 =	sshrl.u32 s13, $0x3;
	[sflag:s6] =	ssyncset.done $0x0  }
0x1a: {  	s31 =	sand.u32 $0x7, s13;
	s15 =	sadd.s32 s5, s30;
	[sflag:s6] =	ssyncadd.s32 $0xFFFFFFC0  }
0x1b: {  	[hbm4b:s15+s31] =	stream.linear.scatter [tilespmem:s14], [sflag:$0x3], $0x40, $0x38;
	[tilespmem:$0x100] =	vst v63  }
.LBB2_5:
0x1c: {  	s15 =	sadd.s32 $0x800, s11  }
0x1d: {  	p2 =	sgt.s32 s15, $0xFFF  }
0x1e: {  	s15 =	smov.u32 @p2 s4;
	p2 =	sne.s32 s12, s9  }
.Ltmp1:
0x1f: {  	p1 =	slt.u32 s12, $0x2;
	(pc) =	sbr.rel @!p2 .LBB2_6-.Ltmp1, $4  }
0x20: {  	s14 =	simm.s32 @!p1 $0x3  }
0x21: {  	s16 =	sadd.s32 $0x1, s12;
	_ =	swait.ge @!p1 [sflag:s14], $0x40  }
0x22: {  	s13 =	smov.u32 s11;
	p0 =	por !p0, !p0;
	[sflag:s14] =	ssyncset.done @!p1 $0x0  }
0x23: {  	s12 =	smov.u32 s16;
	s11 =	smov.u32 s15;
	[sflag:s14] =	ssyncadd.s32 @!p1 $0xFFFFFFC0  }
.LBB2_1:
0x24: {  	p1 =	sge.u32 s12, s8  }
0x25: {  	s14 =	sxor.u32 @!p1 $0xFFFFFFFF, s12  }
0x26: {  	s31 =	sadd.s32 $0xFFFFFFFF, s12;
	s15 =	sshrl.u32 @!p1 s11, $0x3;
	s14 =	sshll.u32 @!p1 s14, $0x6  }
0x27: {  	s16 =	sand.u32 @!p1 $0x7, s11;
	s15 =	sadd.s32 @!p1 s3, s15;
	s14 =	sand.u32 @!p1 $0x40, s14  }
0x28: {  	[tilespmem:s14], [sflag:$0x2] =	stream.linear.gather @!p1 [hbm4b:s15+s16], $0x40, $0x38;
	[tilespmem:$0x100] =	vst v63  }
0x29: {  	p1 =	sge.u32 s31, s8  }
.Ltmp2:
0x2a: {  	_ = 	snop;
	(pc) =	sbr.rel @p1 .LBB2_5-.Ltmp2, $1  }
0x2b: {  	_ =	sdelay $0x3  }
0x2c: {  	s14 =	simm.s32 $0x1  }
0x2d: {  	_ =	swait.ge [sflag:s7], $0x40;
	s14 =	simm.s32 @!p0 $0x0  }
0x2e: {  	[sflag:s7] =	ssyncset.done $0x0;
	s14 =	sshll.u32 s14, $0x6  }
0x2f: {  	[sflag:s7] =	ssyncadd.s32 $0xFFFFFFC0;
	(ifvalue) =	ssetifvalue $0x7FFFFFFF;
	v0 =	vld.msk [tilespmem:s14+$0x0 ss:$0x1], $0xffff;
	_ =	sdelay $0x4  }
0x30: {  	s15 =	sadd.s32 $0x10, s14;
	v2 =	vshrl.u32 v0, $0xC;
	v3 =	vshll.u32 v0, $0x7  }
0x31: {  	v1 =	vld.msk [tilespmem:s15+$0x0 ss:$0x1], $0xffff;
	vm1 =	veq.s32 v0, $0x80000000;
	v0 =	vand.u32 $0x7, v2;
	v2 =	vand.u32 $0x7FF80, v3  }
0x32: {  	v0 =	vsel vm1, $0xFFFFFFFF, v0;
	v2 =	vsel vm1, $0xFFFFFF80, v2  }
0x33: {  	v3 =	vand.u32 $0xFFFFFC00, v2;
	v4 =	vand.u32 $0xFFFFFC00, v0  }
0x34: {  	v2 =	vand.u32 $0x380, v2;
	v3 =	vadd.s32 v4, v3  }
0x35: {  	v0 =	vand.u32 $0x7F, v0;
	v2 =	vor.u32 v2, v3  }
0x36: {  	v5 =	vshll.u32 v1, $0x7;
	v4 =	vshrl.u32 v1, $0xC;
	v0 =	vor.u32 v0, v2  }
0x37: {  	s16 =	sshll.u32 s12, $0x6;
	vm1 =	veq.s32 v1, $0x80000000;
	v1 =	vand.u32 $0x7, v4;
	v4 =	vand.u32 $0x7FF80, v5  }
0x38: {  	s16 =	sand.u32 $0x40, s16;
	s18 =	sadd.s32 $0x10, s15;
	v3 =	vsel vm1, $0xFFFFFFFF, v1;
	v4 =	vsel vm1, $0xFFFFFF80, v4  }
0x39: {  	s17 =	simm.s32 $0x20;
	s15 =	sor.u32 $0x80, s14;
	s14 =	sor.u32 $0x80, s16;
	v1 =	vld.msk [tilespmem:s18+$0x0 ss:$0x1], $0xffff;
	v5 =	vand.u32 $0xFFFFFC00, v4;
	v6 =	vand.u32 $0xFFFFFC00, v3  }
0x3a: {  	s16 =	sadd.s32 $0x10, s15;
	s18 =	sadd.s32 $0x10, s18;
	(ifvalue) =	ssetifvalue $0x7FFFFFFF;
	v2 =	vand.u32 $0x7F, v3;
	v4 =	vand.u32 $0x380, v4;
	v3 =	vadd.s32 v6, v5  }
.LBB2_3:
0x3b: {  	[tilespmem:s15], [sflag:$0x1] =	stream.indirect_vreg.gather [hbm4b:s2+s10], $0x1, v0, vm0, $0x4038;
	[tilespmem:$0x100] =	vst v63  }
0x3c: {  	s17 =	sadd.s32 $0x10, s17  }
0x3d: {  	v3 =	vor.u32 v4, v3;
	p1 =	slt.u32 s17, $0x30  }
.Ltmp3:
0x3e: {  	v4 =	vshrl.u32 v1, $0xC;
	v5 =	vshll.u32 v1, $0x7;
	s15 =	smov.u32 s16;
	v0 =	vor.u32 v2, v3;
	v2 =	vmovc v1;
	v1 =	vld.msk [tilespmem:s18+$0x0 ss:$0x1], $0xffff;
	(pc) =	sbr.rel @p1 .LBB2_3-.Ltmp3, $4  }
0x3f: {  	v3 =	vand.u32 $0x7FF80, v5;
	vm1 =	veq.s32 v2, $0x80000000;
	v2 =	vand.u32 $0x7, v4  }
0x40: {  	v4 =	vsel vm1, $0xFFFFFFFF, v2;
	v5 =	vsel vm1, $0xFFFFFF80, v3  }
0x41: {  	v2 =	vand.u32 $0x7F, v4;
	v3 =	vand.u32 $0xFFFFFC00, v5;
	v4 =	vand.u32 $0xFFFFFC00, v4  }
0x42: {  	s16 =	sadd.s32 $0x10, s16;
	s18 =	sadd.s32 $0x10, s18;
	v3 =	vadd.s32 v4, v3;
	v4 =	vand.u32 $0x380, v5;
	(ifvalue) =	ssetifvalue $0x7FFFFFFF  }
.Ltmp4:
0x43: {  	_ = 	snop;
	(pc) =	sbr.rel .LBB2_4-.Ltmp4, $1  }
0x44: {  	_ =	sdelay $0x3  }
.LBB2_6:
0x45: {  	_ =	sfence.sel $0x180000  }
0x46: {  	s2 =	simm.s32 $0x2;
	[bflag:$0x0] =	sbarrier.arrive $0xFFFF  }
0x47: {  	s30 =	simm.s32 $0x3;
	[sflag:s2] =	ssyncpa.u1 $0x1  }
0x48: {  	s31 =	simm.s32 $0x1;
	[sflag:s30] =	ssyncpa.u1 $0x1  }
0x49: {  	[sflag:s31] =	ssyncpa.u1 $0x1  }
0x4a: {  	p0 =	sne.s32 s0, $0x0;
	_ =	strace $0x90000047  }
0x4b: {  	s0 =	sadd.s32 @!p0 $0x100000, s1;
	[bflag:$0x2] =	sbarrier.arrive $0xFFFF  }
0x4c: {  	[sflag:s0] =	ssyncadd.tile.s32 @!p0 $0x1;
	_ =	shalt  }
.Lfunc_end2:
_tile_overlayer_lowered:
.L_overlay_start_2:
0x4d: {  	(tag) =	ssettag $0x2  }
0x4e: {  	s0 =	rddreg [dreg:$0x0];
	s2 =	stileid.u32  }
0x4f: {  	s1 =	rddreg [dreg:$0x1];
	p0 =	sne.s32 s2, $0x0  }
0x50: {  	s3 =	rddreg [dreg:$0x2];
	[bflag:$0x3] =	sbarrier.arrive $0xFFFF;
	s2 =	simm.s32 @!p0 $0x1C01  }
0x51: {  	[timem:s3], [sflag:s2] =	dma.local @!p0 [hbm:s0], s1  }
0x52: {  	s0 =	simm.s32 @!p0 $0x1  }
0x53: {  	_ =	swait.ge @!p0 [sflag:s0], s1  }
0x54: {  	s1 =	ssub.s32 @!p0 $0x0, s1;
	[sflag:s0] =	ssyncset.done @!p0 $0x0  }
0x55: {  	[sflag:s0] =	ssyncadd.s32 @!p0 s1  }
0x56: {  	[bflag:$0x3] =	sbarrier.arrive $0xFFFF  }
0x57: {  	_ =	shalt  }

// kernel: kernel.12.cloned.1.call-start
scs
__scs_entry_jumppad:
0x0: {  	(pc) =	sbr.rel $0x88, $3  }
0x1: {  	(tag) =	ssettag $0x0;
	lr =	simm.s32 $0x1  }
0x2: {  	[smem:$0x3F8F] =	sst lr;
	_ =	strace $0xD0000000  }
0x3: {  	_ = 	snop  }
0x4: {  	_ = 	snop  }
0x5: {  	_ = 	snop  }
0x6: {  	_ = 	snop  }
0x7: {  	_ = 	snop  }
__scs_overlays_trampoline_lowered:
0x8: {  	[smem:$0x3F9E] =	sst s0  }
0x9: {  	[smem:$0x3F9F] =	sst s1  }
0xa: {  	[smem:$0x3FA0] =	sst s2  }
0xb: {  	[smem:$0x3FA1] =	sst s3  }
0xc: {  	[smem:$0x3FA2] =	sst s4  }
0xd: {  	[smem:$0x3FA3] =	sst s5  }
0xe: {  	[smem:$0x3FA4] =	sst s6  }
0xf: {  	[smem:$0x3FA5] =	sst s7  }
0x10: {  	[smem:$0x3FA6] =	sst s8  }
0x11: {  	[smem:$0x3FA7] =	sst s9;
	s0 =	simm.s32 @!p0 $0x0  }
0x12: {  	s1 =	sld [smem:$0x3F8D];
	s0 =	simm.s32 @p0 $0x1  }
0x13: {  	[smem:$0x3FA8] =	sst s0;
	s0 =	simm.s32 @!p1 $0x0  }
0x14: {  	s2 =	sld [smem:$0x3F8C];
	s0 =	simm.s32 @p1 $0x1  }
0x15: {  	[smem:$0x3FA9] =	sst s0;
	s0 =	simm.s32 @!p2 $0x0  }
0x16: {  	s3 =	sld [smem:$0x3FDB];
	s0 =	simm.s32 @p2 $0x1  }
0x17: {  	s4 =	simm.s32 $0x1BF5;
	[smem:$0x3FAB] =	sst s0  }
0x18: {  	s0 =	sld [smem:$0x3F8E];
	_ =	swait.ge [sflag:s4], $0x0  }
0x19: {  	s7 =	sld [smem:$0x3F8F]  }
0x1a: {  	s8 =	sadd.s32 $0xFFFFE003, lr  }
0x1b: {  	s9 =	sadd.s32 $0xFFFFFEF7, lr;
	s5 =	simm.s32 $0xFFFFFFFF;
	p2 =	slt.u32 s8, $0xFFFFF086  }
0x1c: {  	p1 =	slt.u32 s9, $0xF7A;
	s5 =	simm.s32 @!p2 $0x0  }
0x1d: {  	s5 =	simm.s32 @p1 $0x1;
	p0 =	seq.s32 s7, s2  }
0x1e: {  	s7 =	smul.u32 @!p0 $0xF7A, s2;
	p2 =	seq.s32 @!p0 s5, $0x0  }
0x1f: {  	s9 =	smul.u32 $0xF7A, s1;
	s8 =	simm.s32 @!p0 $0x1BF5;
	p2 =	por !p2, p0  }
0x20: {  	[sflag:s8] =	ssyncset.s32 @!p0 $0xFFFFF086;
	s6 =	sadd.s32 @!p0 s3, s7;
	s7 =	simm.s32 @!p0 $0x108  }
0x21: {  	s3 =	sadd.s32 s3, s9;
	s6 =	sadd.s32 @!p0 $0x88, s6;
	s7 =	simm.s32 @p2 $0x1082  }
0x22: {  	[simem:s7], [sflag:s8] =	dma.local @!p0 [hbm:s6], $0xF7A  }
0x23: {  	s9 =	sor.u32 $0xD0000000, s2;
	s6 =	simm.s32 $0x108;
	_ =	swait.ge @!p0 [sflag:s8], $0x0  }
0x24: {  	s3 =	sadd.s32 $0x88, s3;
	s6 =	simm.s32 @!p1 $0x1082;
	[sflag:s4] =	ssyncset.s32 $0xFFFFF086  }
0x25: {  	[simem:s6], [sflag:s4] =	dma.local [hbm:s3], $0xF7A  }
0x26: {  	[smem:$0x3F8F] =	sst s1;
	(tag) =	ssettag s2;
	_ =	strace s9  }
0x27: {  	s1 =	sld [smem:$0x3F9F]  }
0x28: {  	s2 =	sld [smem:$0x3FA0]  }
0x29: {  	s4 =	sld [smem:$0x3FA2]  }
0x2a: {  	p0 =	seq.s32 s5, $0x0;
	s5 =	sld [smem:$0x3FA3]  }
0x2b: {  	s6 =	sld [smem:$0x3FA4]  }
0x2c: {  	s7 =	sld [smem:$0x3FA5]  }
0x2d: {  	s3 =	simm.s32 $0x108;
	s8 =	sld [smem:$0x3FA6]  }
0x2e: {  	s3 =	simm.s32 @!p0 $0x1082;
	s9 =	sld [smem:$0x3FA7]  }
0x2f: {  	lr =	sadd.s32 s0, s3;
	s0 =	sld [smem:$0x3F9E]  }
0x30: {  	s3 =	sld [smem:$0x3FA1]  }
0x31: {  	[smem:$0x3FAA] =	sst s10  }
0x32: {  	s10 =	sld [smem:$0x3FA8];
	_ =	sdelay $0x3  }
0x33: {  	p0 =	seq.s32 s10, $0x1;
	s10 =	sld [smem:$0x3FAA];
	_ =	sdelay $0x3  }
0x34: {  	[smem:$0x3FAA] =	sst s10  }
0x35: {  	s10 =	sld [smem:$0x3FA9];
	_ =	sdelay $0x3  }
0x36: {  	p1 =	seq.s32 s10, $0x1;
	s10 =	sld [smem:$0x3FAA];
	_ =	sdelay $0x3  }
0x37: {  	[smem:$0x3FAA] =	sst s10  }
0x38: {  	s10 =	sld [smem:$0x3FAB]  }
0x39: {  	_ = 	snop;
	(pc) =	sbr.ind lr, $3  }
0x3a: {  	_ = 	snop  }
0x3b: {  	_ = 	snop  }
0x3c: {  	p2 =	seq.s32 s10, $0x1;
	s10 =	sld [smem:$0x3FAA]  }
0x3d: {  	_ =	shalt  }
0x3e: {  	_ =	shalt  }
0x3f: {  	_ =	shalt  }
0x40: {  	_ =	shalt  }
0x41: {  	_ =	shalt  }
0x42: {  	_ =	shalt  }
0x43: {  	_ =	shalt  }
0x44: {  	_ =	shalt  }
0x45: {  	_ =	shalt  }
0x46: {  	_ =	shalt  }
0x47: {  	_ =	shalt  }
0x48: {  	_ =	shalt  }
0x49: {  	_ =	shalt  }
0x4a: {  	_ =	shalt  }
0x4b: {  	_ =	shalt  }
0x4c: {  	_ =	shalt  }
0x4d: {  	_ =	shalt  }
0x4e: {  	_ =	shalt  }
0x4f: {  	_ =	shalt  }
0x50: {  	_ =	shalt  }
0x51: {  	_ =	shalt  }
0x52: {  	_ =	shalt  }
0x53: {  	_ =	shalt  }
0x54: {  	_ =	shalt  }
0x55: {  	_ =	shalt  }
0x56: {  	_ =	shalt  }
0x57: {  	_ =	shalt  }
0x58: {  	_ =	shalt  }
0x59: {  	_ =	shalt  }
0x5a: {  	_ =	shalt  }
0x5b: {  	_ =	shalt  }
0x5c: {  	_ =	shalt  }
0x5d: {  	_ =	shalt  }
0x5e: {  	_ =	shalt  }
0x5f: {  	_ =	shalt  }
0x60: {  	_ =	shalt  }
0x61: {  	_ =	shalt  }
0x62: {  	_ =	shalt  }
0x63: {  	_ =	shalt  }
0x64: {  	_ =	shalt  }
0x65: {  	_ =	shalt  }
0x66: {  	_ =	shalt  }
0x67: {  	_ =	shalt  }
0x68: {  	_ =	shalt  }
0x69: {  	_ =	shalt  }
0x6a: {  	_ =	shalt  }
0x6b: {  	_ =	shalt  }
0x6c: {  	_ =	shalt  }
0x6d: {  	_ =	shalt  }
0x6e: {  	_ =	shalt  }
0x6f: {  	_ =	shalt  }
0x70: {  	_ =	shalt  }
0x71: {  	_ =	shalt  }
0x72: {  	_ =	shalt  }
0x73: {  	_ =	shalt  }
0x74: {  	_ =	shalt  }
0x75: {  	_ =	shalt  }
0x76: {  	_ =	shalt  }
0x77: {  	_ =	shalt  }
0x78: {  	_ =	shalt  }
0x79: {  	_ =	shalt  }
0x7a: {  	_ =	shalt  }
0x7b: {  	_ =	shalt  }
0x7c: {  	_ =	shalt  }
0x7d: {  	_ =	shalt  }
0x7e: {  	_ =	shalt  }
0x7f: {  	_ =	shalt  }
0x80: {  	_ =	shalt  }
0x81: {  	_ =	shalt  }
0x82: {  	_ =	shalt  }
0x83: {  	_ =	shalt  }
0x84: {  	_ =	shalt  }
0x85: {  	_ =	shalt  }
0x86: {  	_ =	shalt  }
0x87: {  	_ =	shalt  }
.Lfunc_end0:
.L_simem_size_0:
called_computation.1_lowered:
.L_overlay_start_0:
0x88: {  	s2 =	sld [smem:$0x3FD9]  }
0x89: {  	s3 =	sld [smem:$0x3FFE];
	_ =	sdelay $0x1  }
0x8a: {  	s1 =	srdreg.scid  }
0x8b: {  	s0 =	sand.u32 $0x1, s1  }
0x8c: {  	s14 =	sshll.u32 s0, $0xA;
	s2 =	sadd.s32 s3, s2  }
0x8d: {  	s2 =	sadd.s32 s2, s14  }
0x8e: {  	[smem:$0x3FB6] =	sst s2  }
0x8f: {  	_ = 	snop  }
0x90: {  	s2 =	sld [smem:$0x3FD0];
	_ =	sdelay $0x2  }
0x91: {  	s15 =	simm.s32 $0xA;
	s4 =	simm.s32 $0x10  }
0x92: {  	[smem:s4], [sflag:s15] =	dma.local [hbm:s2], $0x1  }
0x93: {  	_ =	swait.eq [sflag:s15], $0x1  }
0x94: {  	[sflag:s15] =	ssyncset.done $0x0  }
0x95: {  	s16 =	sld [smem:$0x10];
	[sflag:s15] =	ssyncadd.s32 $0xFFFFFFFF  }
0x96: {  	s17 =	sld [smem:$0x12];
	(tm) =	ssettm $0x1  }
0x97: {  	s18 =	sld [smem:$0x3FFB];
	_ =	sdelay $0x3  }
0x98: {  	_ =	strace s18  }
0x99: {  	s4 =	sld [smem:$0x3FFC];
	_ =	sdelay $0x3  }
0x9a: {  	_ =	strace s4  }
0x9b: {  	s4 =	sld [smem:$0x3FFD];
	_ =	sdelay $0x3  }
0x9c: {  	_ =	strace s4  }
0x9d: {  	_ =	strace $0x8FFFFFFF  }
0x9e: {  	s19 =	sld [smem:$0x3FDB];
	_ =	sdelay $0x1  }
0x9f: {  	s5 =	simm.s32 $_scs_section_size  }
0xa0: {  	s6 =	simm.s32 $_size__tile_overlayer_lowered;
	s7 =	simm.s32 $_tile_overlayer_lowered  }
0xa1: {  	s22 =	simm.s32 $0x1BFF;
	s21 =	sshll.u32 s7, $0x1;
	s4 =	sadd.s32 s5, s19  }
0xa2: {  	s8 =	simm.s32 $0x0;
	s20 =	sshll.u32 s6, $0x1;
	s6 =	sadd.s32 s21, s4  }
0xa3: {  	[timem:s8], [sflag:s22] =	dma.local [hbm:s6], s20  }
0xa4: {  	_ =	swait.ge [sflag:s22], s20  }
0xa5: {  	s5 =	ssub.s32 $0x0, s20;
	[sflag:s22] =	ssyncset.done $0x0  }
0xa6: {  	[sflag:s22] =	ssyncadd.s32 s5;
	_ =	sdelay $0x1  }
0xa7: {  	s23 =	simm.s32 $0x1B8B  }
0xa8: {  	_ =	swait.ge [sflag:s23], $0x1  }
0xa9: {  	[sflag:s23] =	ssyncset.done $0x0  }
0xaa: {  	s25 =	simm.s32 $0x1B8E;
	s24 =	sld [smem:$0x3FFE];
	[sflag:s23] =	ssyncadd.s32 $0xFFFFFFFF  }
0xab: {  	s26 =	simm.s32 $execute0_lowered;
	[smem:$0x3FD2] =	sst s25  }
0xac: {  	s6 =	sshll.u32 s26, $0x1;
	_ =	strace $0x80000049;
	[dreg:$0x1] =	wrdreg $0xFFFFFFFF  }
0xad: {  	s28 =	simm.s32 $_size_execute0_lowered;
	s4 =	sadd.s32 s4, s6;
	[dreg:$0x0] =	wrdreg $0x0  }
0xae: {  	s6 =	sshll.u32 s28, $0x1;
	[dreg:$0x2] =	wrdreg s4  }
0xaf: {  	[dreg:$0x3] =	wrdreg s6  }
0xb0: {  	[dreg:$0x4] =	wrdreg $0xC0  }
0xb1: {  	_ =	task [dreg:s8], $0x5FFFF  }
0xb2: {  	[dreg:$0x1] =	wrdreg $0xFFFFFFFF  }
0xb3: {  	[dreg:$0x0] =	wrdreg $0x60  }
0xb4: {  	[dreg:$0x2] =	wrdreg s16  }
0xb5: {  	[dreg:$0x3] =	wrdreg s17  }
0xb6: {  	[dreg:$0x4] =	wrdreg s24  }
0xb7: {  	[dreg:$0x5] =	wrdreg $0x9  }
0xb8: {  	_ =	task.clear_ibuf [dreg:s8], $0x6FFFF;
	_ =	strace $0x90000049  }
0xb9: {  	s29 =	simm.s32 $0x9;
	_ =	strace $0x8000004B  }
0xba: {  	_ =	swait.ge [sflag:s29], $0x1  }
0xbb: {  	[sflag:s29] =	ssyncadd.s32 $0xFFFFFFFF  }
0xbc: {  	_ =	strace $0x9000004B  }
0xbd: {  	_ =	sfence  }
0xbe: {  	s30 =	sld [smem:$0x0];
	_ =	sdelay $0x2  }
0xbf: {  	s31 =	sshll.u32 s1, $0xD;
	s1 =	sshrl.u32 s1, $0x2  }
0xc0: {  	s3 =	sand.u32 $0x4000, s31;
	s1 =	sadd.s32 s1, s30  }
0xc1: {  	s0 =	sor.u32 s3, s0;
	s1 =	sshll.u32 s1, $0x11  }
0xc2: {  	s0 =	sor.u32 s1, s0  }
0xc3: {  	s0 =	sadd.s32 $0x8F2B, s0  }
0xc4: {  	[sflag:s0] =	ssyncadd.remote.s32 $0x1  }
0xc5: {  	_ =	sfence.sel $0xFFFF  }
0xc6: {  	[dreg:$0x0] =	wrdreg $0xFFFFFFFF;
	(pc) =	sbr.abs _section_cstart, $3  }
0xc7: {  	[dreg:$0x1] =	wrdreg $0xFFFFFFFF  }
0xc8: {  	_ =	task.clear_ibuf [dreg:s8], $0x2FFFF;
	_ =	strace $0x9FFFFFFF  }
0xc9: {  	(tm) =	ssettm $0x7FFFFFFF  }
tec
execute0_lowered:
.L_overlay_start_1:
0x0: {  	(tag) =	ssettag $0x1  }
0x1: {  	s2 =	rddreg [dreg:$0x0]  }
0x2: {  	s0 =	srdreg.scid;
	s4 =	rddreg [dreg:$0x1]  }
0x3: {  	s1 =	stileid.u32;
	s5 =	rddreg [dreg:$0x2];
	s7 =	simm.s32 $0x2  }
0x4: {  	s10 =	simm.s32 $0xA00;
	s11 =	simm.s32 $0x1200;
	s12 =	simm.s32 $0x1A00  }
0x5: {  	s13 =	simm.s32 $0x2200;
	s14 =	simm.s32 $0x2A00;
	s15 =	simm.s32 $0x3200  }
0x6: {  	s16 =	simm.s32 $0x3A00;
	s17 =	simm.s32 $0x4200;
	s18 =	simm.s32 $0x4A00  }
0x7: {  	s19 =	simm.s32 $0x5200;
	s0 =	sand.u32 $0x1, s0;
	s1 =	sshll.u32 s1, $0x1  }
0x8: {  	s20 =	simm.s32 $0x5A00;
	s21 =	simm.s32 $0x6200;
	s1 =	sor.u32 s0, s1  }
0x9: {  	s22 =	simm.s32 $0x6A00;
	s28 =	simm.s32 $0x9200;
	s3 =	smul.u32 $0xC0, s1  }
0xa: {  	s29 =	simm.s32 $0x9A00;
	s30 =	simm.s32 $0xA200;
	s31 =	simm.s32 $0xAA00  }
0xb: {  	s0 =	ssub.s32 $0x2, s0;
	s1 =	sshll.u32 s1, $0x6;
	s6 =	sshrl.u32 s3, $0x3  }
0xc: {  	s24 =	sshrl.u32 s0, $0x1;
	s1 =	sadd.s32 s4, s1;
	s6 =	smul.u32 $0x300, s6  }
0xd: {  	s0 =	ssub.s32 s0, s24;
	s4 =	sadd.s32 $0x100, s2;
	s3 =	simm.s32 $0x0  }
0xe: {  	s24 =	simm.s32 $0x7A00;
	[smem:$0x7FF] =	sst s3;
	s5 =	sadd.s32 s6, s5  }
0xf: {  	_ =	strace $0x8000004A;
	[dreg:$0x4] =	wrdreg s1;
	s23 =	sadd.s32 $0x10200, s5  }
0x10: {  	s1 =	simm.s32 $0x200;
	s25 =	sadd.s32 $0x11A00, s5;
	[dreg:$0x5] =	wrdreg s23  }
0x11: {  	v2 =	vlaneseq.u32;
	s6 =	smax.u32 s0, $0x1;
	s26 =	sadd.s32 $0x13200, s5;
	[dreg:$0x6] =	wrdreg s25  }
0x12: {  	vm0 =	vmmov $0xffff;
	v1 =	vshrl.u32 v2, $0x3;
	s0 =	simm.s32 $0x1;
	s5 =	sadd.s32 $0x200, s2;
	[dreg:$0x7] =	wrdreg s26  }
0x13: {  	v0 =	vand.u32 $0x7, v2;
	v2 =	vor.u32 $0x8, v2;
	v1 =	vmul.u32 $0x8, v1;
	s23 =	simm.s32 $0x7200;
	s25 =	simm.s32 $0x8200;
	s26 =	simm.s32 $0x8A00  }
.LBB2_1:
0x14: {  	s9 =	rddreg [dreg:$0x4]  }
0x15: {  	[tilespmem:s3], [sflag:$0x2] =	stream.linear.gather [hbm4b:s9+s3], $0x180, $0x38;
	[tilespmem:$0xC200] =	vst v63  }
0x16: {  	_ =	swait.ge [sflag:s7], $0x180  }
0x17: {  	[sflag:s7] =	ssyncset.done $0x0  }
0x18: {  	[sflag:s7] =	ssyncadd.s32 $0xFFFFFE80  }
0x19: {  	v3 =	vld [tilespmem:$0x0];
	_ =	sdelay $0x4  }
0x1a: {  	v4 =	vshrl.u32 v3, $0x3  }
0x1b: {  	v4 =	vmul.u32 $0x30, v4  }
0x1c: {  	v3 =	vand.u32 $0x7, v3  }
0x1d: {  	v3 =	vor.u32 v3, v4  }
0x1e: {  	v4 =	vperm.xlane v3, v0;
	_ =	sdelay $0x1  }
0x1f: {  	v4 =	vadd.s32 v1, v4;
	_ =	sdelay $0x3  }
0x20: {  	v3 =	vperm.xlane v3, v2  }
0x21: {  	[tilespmem:s1], [sflag:$0x1] =	stream.indirect_vreg.gather [hbm4b:s2+s3], $0x80, v4, vm0, $0xb8;
	[tilespmem:$0xC200] =	vst v63  }
0x22: {  	v3 =	vadd.s32 v1, v3  }
0x23: {  	[tilespmem:s10], [sflag:$0x1] =	stream.indirect_vreg.gather [hbm4b:s4+s3], $0x80, v4, vm0, $0xb8;
	[tilespmem:$0xC200] =	vst v63  }
0x24: {  	_ = 	snop  }
0x25: {  	[tilespmem:s11], [sflag:$0x1] =	stream.indirect_vreg.gather [hbm4b:s5+s3], $0x80, v4, vm0, $0xb8;
	[tilespmem:$0xC200] =	vst v63  }
0x26: {  	_ = 	snop  }
0x27: {  	[tilespmem:s12], [sflag:$0x1] =	stream.indirect_vreg.gather [hbm4b:s2+s3], $0x80, v3, vm0, $0xb8;
	[tilespmem:$0xC200] =	vst v63  }
0x28: {  	_ = 	snop  }
0x29: {  	[tilespmem:s13], [sflag:$0x1] =	stream.indirect_vreg.gather [hbm4b:s4+s3], $0x80, v3, vm0, $0xb8;
	[tilespmem:$0xC200] =	vst v63  }
0x2a: {  	_ = 	snop  }
0x2b: {  	[tilespmem:s14], [sflag:$0x1] =	stream.indirect_vreg.gather [hbm4b:s5+s3], $0x80, v3, vm0, $0xb8;
	[tilespmem:$0xC200] =	vst v63  }
0x2c: {  	v3 =	vld [tilespmem:$0x10];
	_ =	sdelay $0x4  }
0x2d: {  	v53 =	vshrl.u32 v3, $0x3  }
0x2e: {  	v4 =	vmul.u32 $0x30, v53  }
0x2f: {  	v3 =	vand.u32 $0x7, v3  }
0x30: {  	v3 =	vor.u32 v3, v4  }
0x31: {  	v4 =	vperm.xlane v3, v0;
	_ =	sdelay $0x1  }
0x32: {  	v4 =	vadd.s32 v1, v4;
	_ =	sdelay $0x3  }
0x33: {  	v3 =	vperm.xlane v3, v2  }
0x34: {  	[tilespmem:s15], [sflag:$0x1] =	stream.indirect_vreg.gather [hbm4b:s2+s3], $0x80, v4, vm0, $0xb8;
	[tilespmem:$0xC200] =	vst v63  }
0x35: {  	v3 =	vadd.s32 v1, v3  }
0x36: {  	[tilespmem:s16], [sflag:$0x1] =	stream.indirect_vreg.gather [hbm4b:s4+s3], $0x80, v4, vm0, $0xb8;
	[tilespmem:$0xC200] =	vst v63  }
0x37: {  	_ = 	snop  }
0x38: {  	[tilespmem:s17], [sflag:$0x1] =	stream.indirect_vreg.gather [hbm4b:s5+s3], $0x80, v4, vm0, $0xb8;
	[tilespmem:$0xC200] =	vst v63  }
0x39: {  	_ = 	snop  }
0x3a: {  	[tilespmem:s18], [sflag:$0x1] =	stream.indirect_vreg.gather [hbm4b:s2+s3], $0x80, v3, vm0, $0xb8;
	[tilespmem:$0xC200] =	vst v63  }
0x3b: {  	_ = 	snop  }
0x3c: {  	[tilespmem:s19], [sflag:$0x1] =	stream.indirect_vreg.gather [hbm4b:s4+s3], $0x80, v3, vm0, $0xb8;
	[tilespmem:$0xC200] =	vst v63  }
0x3d: {  	_ = 	snop  }
0x3e: {  	[tilespmem:s20], [sflag:$0x1] =	stream.indirect_vreg.gather [hbm4b:s5+s3], $0x80, v3, vm0, $0xb8;
	[tilespmem:$0xC200] =	vst v63  }
0x3f: {  	v3 =	vld [tilespmem:$0x20];
	_ =	sdelay $0x4  }
0x40: {  	v54 =	vshrl.u32 v3, $0x3  }
0x41: {  	v4 =	vmul.u32 $0x30, v54  }
0x42: {  	v3 =	vand.u32 $0x7, v3  }
0x43: {  	v3 =	vor.u32 v3, v4  }
0x44: {  	v4 =	vperm.xlane v3, v0;
	_ =	sdelay $0x1  }
0x45: {  	v4 =	vadd.s32 v1, v4;
	_ =	sdelay $0x3  }
0x46: {  	v3 =	vperm.xlane v3, v2  }
0x47: {  	[tilespmem:s21], [sflag:$0x1] =	stream.indirect_vreg.gather [hbm4b:s2+s3], $0x80, v4, vm0, $0xb8;
	[tilespmem:$0xC200] =	vst v63  }
0x48: {  	v3 =	vadd.s32 v1, v3  }
0x49: {  	[tilespmem:s22], [sflag:$0x1] =	stream.indirect_vreg.gather [hbm4b:s4+s3], $0x80, v4, vm0, $0xb8;
	[tilespmem:$0xC200] =	vst v63  }
0x4a: {  	_ = 	snop  }
0x4b: {  	[tilespmem:s23], [sflag:$0x1] =	stream.indirect_vreg.gather [hbm4b:s5+s3], $0x80, v4, vm0, $0xb8;
	[tilespmem:$0xC200] =	vst v63  }
0x4c: {  	_ = 	snop  }
0x4d: {  	[tilespmem:s24], [sflag:$0x1] =	stream.indirect_vreg.gather [hbm4b:s2+s3], $0x80, v3, vm0, $0xb8;
	[tilespmem:$0xC200] =	vst v63  }
0x4e: {  	_ = 	snop  }
0x4f: {  	[tilespmem:s25], [sflag:$0x1] =	stream.indirect_vreg.gather [hbm4b:s4+s3], $0x80, v3, vm0, $0xb8;
	[tilespmem:$0xC200] =	vst v63  }
0x50: {  	_ = 	snop  }
0x51: {  	[tilespmem:s26], [sflag:$0x1] =	stream.indirect_vreg.gather [hbm4b:s5+s3], $0x80, v3, vm0, $0xb8;
	[tilespmem:$0xC200] =	vst v63  }
0x52: {  	v3 =	vld [tilespmem:$0x30];
	_ =	sdelay $0x4  }
0x53: {  	v55 =	vshrl.u32 v3, $0x3  }
0x54: {  	v4 =	vmul.u32 $0x30, v55  }
0x55: {  	v3 =	vand.u32 $0x7, v3  }
0x56: {  	v3 =	vor.u32 v3, v4  }
0x57: {  	v4 =	vperm.xlane v3, v0;
	_ =	sdelay $0x1  }
0x58: {  	v4 =	vadd.s32 v1, v4;
	_ =	sdelay $0x3  }
0x59: {  	v3 =	vperm.xlane v3, v2  }
0x5a: {  	[tilespmem:s28], [sflag:$0x1] =	stream.indirect_vreg.gather [hbm4b:s2+s3], $0x80, v4, vm0, $0xb8;
	[tilespmem:$0xC200] =	vst v63  }
0x5b: {  	v3 =	vadd.s32 v1, v3  }
0x5c: {  	[tilespmem:s29], [sflag:$0x1] =	stream.indirect_vreg.gather [hbm4b:s4+s3], $0x80, v4, vm0, $0xb8;
	[tilespmem:$0xC200] =	vst v63  }
0x5d: {  	_ = 	snop  }
0x5e: {  	[tilespmem:s30], [sflag:$0x1] =	stream.indirect_vreg.gather [hbm4b:s5+s3], $0x80, v4, vm0, $0xb8;
	[tilespmem:$0xC200] =	vst v63  }
0x5f: {  	_ = 	snop  }
0x60: {  	[tilespmem:s31], [sflag:$0x1] =	stream.indirect_vreg.gather [hbm4b:s2+s3], $0x80, v3, vm0, $0xb8;
	[tilespmem:$0xC200] =	vst v63  }
0x61: {  	s8 =	simm.s32 $0xB200  }
0x62: {  	[tilespmem:s8], [sflag:$0x1] =	stream.indirect_vreg.gather [hbm4b:s4+s3], $0x80, v3, vm0, $0xb8;
	[tilespmem:$0xC200] =	vst v63  }
0x63: {  	s8 =	simm.s32 $0xBA00  }
0x64: {  	[tilespmem:s8], [sflag:$0x1] =	stream.indirect_vreg.gather [hbm4b:s5+s3], $0x80, v3, vm0, $0xb8;
	[tilespmem:$0xC200] =	vst v63  }
0x65: {  	_ =	swait.ge [sflag:s0], $0xC000  }
0x66: {  	[sflag:s0] =	ssyncset.done $0x0  }
0x67: {  	s9 =	rddreg [dreg:$0x5];
	[sflag:s0] =	ssyncadd.s32 $0xFFFF4000  }
0x68: {  	[hbm4b:s9+s3] =	stream.linear.scatter [tilespmem:s1], [sflag:$0x2], $0xC000, $0x38;
	[tilespmem:$0xC200] =	vst v63  }
0x69: {  	_ =	swait.ge [sflag:s7], $0xC000  }
0x6a: {  	[sflag:s7] =	ssyncset.done $0x0  }
0x6b: {  	[sflag:s7] =	ssyncadd.s32 $0xFFFF4000  }
0x6c: {  	v3 =	vld [tilespmem:$0x80];
	_ =	sdelay $0x4  }
0x6d: {  	v56 =	vshrl.u32 v3, $0x3  }
0x6e: {  	v4 =	vmul.u32 $0x30, v56  }
0x6f: {  	v3 =	vand.u32 $0x7, v3  }
0x70: {  	v3 =	vor.u32 v3, v4  }
0x71: {  	v4 =	vperm.xlane v3, v0;
	_ =	sdelay $0x1  }
0x72: {  	v4 =	vadd.s32 v1, v4;
	_ =	sdelay $0x3  }
0x73: {  	v3 =	vperm.xlane v3, v2  }
0x74: {  	[tilespmem:s1], [sflag:$0x1] =	stream.indirect_vreg.gather [hbm4b:s2+s3], $0x80, v4, vm0, $0xb8;
	[tilespmem:$0xC200] =	vst v63  }
0x75: {  	v3 =	vadd.s32 v1, v3  }
0x76: {  	[tilespmem:s10], [sflag:$0x1] =	stream.indirect_vreg.gather [hbm4b:s4+s3], $0x80, v4, vm0, $0xb8;
	[tilespmem:$0xC200] =	vst v63  }
0x77: {  	_ = 	snop  }
0x78: {  	[tilespmem:s11], [sflag:$0x1] =	stream.indirect_vreg.gather [hbm4b:s5+s3], $0x80, v4, vm0, $0xb8;
	[tilespmem:$0xC200] =	vst v63  }
0x79: {  	_ = 	snop  }
0x7a: {  	[tilespmem:s12], [sflag:$0x1] =	stream.indirect_vreg.gather [hbm4b:s2+s3], $0x80, v3, vm0, $0xb8;
	[tilespmem:$0xC200] =	vst v63  }
0x7b: {  	_ = 	snop  }
0x7c: {  	[tilespmem:s13], [sflag:$0x1] =	stream.indirect_vreg.gather [hbm4b:s4+s3], $0x80, v3, vm0, $0xb8;
	[tilespmem:$0xC200] =	vst v63  }
0x7d: {  	_ = 	snop  }
0x7e: {  	[tilespmem:s14], [sflag:$0x1] =	stream.indirect_vreg.gather [hbm4b:s5+s3], $0x80, v3, vm0, $0xb8;
	[tilespmem:$0xC200] =	vst v63  }
0x7f: {  	v3 =	vld [tilespmem:$0x90];
	_ =	sdelay $0x4  }
0x80: {  	v57 =	vshrl.u32 v3, $0x3  }
0x81: {  	v4 =	vmul.u32 $0x30, v57  }
0x82: {  	v3 =	vand.u32 $0x7, v3  }
0x83: {  	v3 =	vor.u32 v3, v4  }
0x84: {  	v4 =	vperm.xlane v3, v0;
	_ =	sdelay $0x1  }
0x85: {  	v4 =	vadd.s32 v1, v4;
	_ =	sdelay $0x3  }
0x86: {  	v3 =	vperm.xlane v3, v2  }
0x87: {  	[tilespmem:s15], [sflag:$0x1] =	stream.indirect_vreg.gather [hbm4b:s2+s3], $0x80, v4, vm0, $0xb8;
	[tilespmem:$0xC200] =	vst v63  }
0x88: {  	v3 =	vadd.s32 v1, v3  }
0x89: {  	[tilespmem:s16], [sflag:$0x1] =	stream.indirect_vreg.gather [hbm4b:s4+s3], $0x80, v4, vm0, $0xb8;
	[tilespmem:$0xC200] =	vst v63  }
0x8a: {  	_ = 	snop  }
0x8b: {  	[tilespmem:s17], [sflag:$0x1] =	stream.indirect_vreg.gather [hbm4b:s5+s3], $0x80, v4, vm0, $0xb8;
	[tilespmem:$0xC200] =	vst v63  }
0x8c: {  	_ = 	snop  }
0x8d: {  	[tilespmem:s18], [sflag:$0x1] =	stream.indirect_vreg.gather [hbm4b:s2+s3], $0x80, v3, vm0, $0xb8;
	[tilespmem:$0xC200] =	vst v63  }
0x8e: {  	_ = 	snop  }
0x8f: {  	[tilespmem:s19], [sflag:$0x1] =	stream.indirect_vreg.gather [hbm4b:s4+s3], $0x80, v3, vm0, $0xb8;
	[tilespmem:$0xC200] =	vst v63  }
0x90: {  	_ = 	snop  }
0x91: {  	[tilespmem:s20], [sflag:$0x1] =	stream.indirect_vreg.gather [hbm4b:s5+s3], $0x80, v3, vm0, $0xb8;
	[tilespmem:$0xC200] =	vst v63  }
0x92: {  	v3 =	vld [tilespmem:$0xA0];
	_ =	sdelay $0x4  }
0x93: {  	v58 =	vshrl.u32 v3, $0x3  }
0x94: {  	v4 =	vmul.u32 $0x30, v58  }
0x95: {  	v3 =	vand.u32 $0x7, v3  }
0x96: {  	v3 =	vor.u32 v3, v4  }
0x97: {  	v4 =	vperm.xlane v3, v0;
	_ =	sdelay $0x1  }
0x98: {  	v4 =	vadd.s32 v1, v4;
	_ =	sdelay $0x3  }
0x99: {  	v3 =	vperm.xlane v3, v2  }
0x9a: {  	[tilespmem:s21], [sflag:$0x1] =	stream.indirect_vreg.gather [hbm4b:s2+s3], $0x80, v4, vm0, $0xb8;
	[tilespmem:$0xC200] =	vst v63  }
0x9b: {  	v3 =	vadd.s32 v1, v3  }
0x9c: {  	[tilespmem:s22], [sflag:$0x1] =	stream.indirect_vreg.gather [hbm4b:s4+s3], $0x80, v4, vm0, $0xb8;
	[tilespmem:$0xC200] =	vst v63  }
0x9d: {  	_ = 	snop  }
0x9e: {  	[tilespmem:s23], [sflag:$0x1] =	stream.indirect_vreg.gather [hbm4b:s5+s3], $0x80, v4, vm0, $0xb8;
	[tilespmem:$0xC200] =	vst v63  }
0x9f: {  	_ = 	snop  }
0xa0: {  	[tilespmem:s24], [sflag:$0x1] =	stream.indirect_vreg.gather [hbm4b:s2+s3], $0x80, v3, vm0, $0xb8;
	[tilespmem:$0xC200] =	vst v63  }
0xa1: {  	_ = 	snop  }
0xa2: {  	[tilespmem:s25], [sflag:$0x1] =	stream.indirect_vreg.gather [hbm4b:s4+s3], $0x80, v3, vm0, $0xb8;
	[tilespmem:$0xC200] =	vst v63  }
0xa3: {  	_ = 	snop  }
0xa4: {  	[tilespmem:s26], [sflag:$0x1] =	stream.indirect_vreg.gather [hbm4b:s5+s3], $0x80, v3, vm0, $0xb8;
	[tilespmem:$0xC200] =	vst v63  }
0xa5: {  	v3 =	vld [tilespmem:$0xB0];
	_ =	sdelay $0x4  }
0xa6: {  	v59 =	vshrl.u32 v3, $0x3  }
0xa7: {  	v4 =	vmul.u32 $0x30, v59  }
0xa8: {  	v3 =	vand.u32 $0x7, v3  }
0xa9: {  	v3 =	vor.u32 v3, v4  }
0xaa: {  	v4 =	vperm.xlane v3, v0;
	_ =	sdelay $0x1  }
0xab: {  	v4 =	vadd.s32 v1, v4;
	_ =	sdelay $0x3  }
0xac: {  	v3 =	vperm.xlane v3, v2  }
0xad: {  	[tilespmem:s28], [sflag:$0x1] =	stream.indirect_vreg.gather [hbm4b:s2+s3], $0x80, v4, vm0, $0xb8;
	[tilespmem:$0xC200] =	vst v63  }
0xae: {  	v3 =	vadd.s32 v1, v3  }
0xaf: {  	[tilespmem:s29], [sflag:$0x1] =	stream.indirect_vreg.gather [hbm4b:s4+s3], $0x80, v4, vm0, $0xb8;
	[tilespmem:$0xC200] =	vst v63  }
0xb0: {  	_ = 	snop  }
0xb1: {  	[tilespmem:s30], [sflag:$0x1] =	stream.indirect_vreg.gather [hbm4b:s5+s3], $0x80, v4, vm0, $0xb8;
	[tilespmem:$0xC200] =	vst v63  }
0xb2: {  	_ = 	snop  }
0xb3: {  	[tilespmem:s31], [sflag:$0x1] =	stream.indirect_vreg.gather [hbm4b:s2+s3], $0x80, v3, vm0, $0xb8;
	[tilespmem:$0xC200] =	vst v63  }
0xb4: {  	s9 =	simm.s32 $0xB200  }
0xb5: {  	[tilespmem:s9], [sflag:$0x1] =	stream.indirect_vreg.gather [hbm4b:s4+s3], $0x80, v3, vm0, $0xb8;
	[tilespmem:$0xC200] =	vst v63  }
0xb6: {  	_ = 	snop  }
0xb7: {  	[tilespmem:s8], [sflag:$0x1] =	stream.indirect_vreg.gather [hbm4b:s5+s3], $0x80, v3, vm0, $0xb8;
	[tilespmem:$0xC200] =	vst v63  }
0xb8: {  	_ =	swait.ge [sflag:s0], $0xC000  }
0xb9: {  	[sflag:s0] =	ssyncset.done $0x0  }
0xba: {  	s9 =	rddreg [dreg:$0x6];
	[sflag:s0] =	ssyncadd.s32 $0xFFFF4000  }
0xbb: {  	[hbm4b:s9+s3] =	stream.linear.scatter [tilespmem:s1], [sflag:$0x2], $0xC000, $0x38;
	[tilespmem:$0xC200] =	vst v63  }
0xbc: {  	_ =	swait.ge [sflag:s7], $0xC000  }
0xbd: {  	[sflag:s7] =	ssyncset.done $0x0  }
0xbe: {  	[sflag:s7] =	ssyncadd.s32 $0xFFFF4000  }
0xbf: {  	v3 =	vld [tilespmem:$0x100];
	_ =	sdelay $0x4  }
0xc0: {  	v60 =	vshrl.u32 v3, $0x3  }
0xc1: {  	v4 =	vmul.u32 $0x30, v60  }
0xc2: {  	v3 =	vand.u32 $0x7, v3  }
0xc3: {  	v3 =	vor.u32 v3, v4  }
0xc4: {  	v4 =	vperm.xlane v3, v0;
	_ =	sdelay $0x1  }
0xc5: {  	v4 =	vadd.s32 v1, v4;
	_ =	sdelay $0x3  }
0xc6: {  	v3 =	vperm.xlane v3, v2  }
0xc7: {  	[tilespmem:s1], [sflag:$0x1] =	stream.indirect_vreg.gather [hbm4b:s2+s3], $0x80, v4, vm0, $0xb8;
	[tilespmem:$0xC200] =	vst v63  }
0xc8: {  	v3 =	vadd.s32 v1, v3  }
0xc9: {  	[tilespmem:s10], [sflag:$0x1] =	stream.indirect_vreg.gather [hbm4b:s4+s3], $0x80, v4, vm0, $0xb8;
	[tilespmem:$0xC200] =	vst v63  }
0xca: {  	_ = 	snop  }
0xcb: {  	[tilespmem:s11], [sflag:$0x1] =	stream.indirect_vreg.gather [hbm4b:s5+s3], $0x80, v4, vm0, $0xb8;
	[tilespmem:$0xC200] =	vst v63  }
0xcc: {  	_ = 	snop  }
0xcd: {  	[tilespmem:s12], [sflag:$0x1] =	stream.indirect_vreg.gather [hbm4b:s2+s3], $0x80, v3, vm0, $0xb8;
	[tilespmem:$0xC200] =	vst v63  }
0xce: {  	_ = 	snop  }
0xcf: {  	[tilespmem:s13], [sflag:$0x1] =	stream.indirect_vreg.gather [hbm4b:s4+s3], $0x80, v3, vm0, $0xb8;
	[tilespmem:$0xC200] =	vst v63  }
0xd0: {  	_ = 	snop  }
0xd1: {  	[tilespmem:s14], [sflag:$0x1] =	stream.indirect_vreg.gather [hbm4b:s5+s3], $0x80, v3, vm0, $0xb8;
	[tilespmem:$0xC200] =	vst v63  }
0xd2: {  	v3 =	vld [tilespmem:$0x110];
	_ =	sdelay $0x4  }
0xd3: {  	v61 =	vshrl.u32 v3, $0x3  }
0xd4: {  	v4 =	vmul.u32 $0x30, v61  }
0xd5: {  	v3 =	vand.u32 $0x7, v3  }
0xd6: {  	v3 =	vor.u32 v3, v4  }
0xd7: {  	v4 =	vperm.xlane v3, v0;
	_ =	sdelay $0x1  }
0xd8: {  	v4 =	vadd.s32 v1, v4;
	_ =	sdelay $0x3  }
0xd9: {  	v3 =	vperm.xlane v3, v2  }
0xda: {  	[tilespmem:s15], [sflag:$0x1] =	stream.indirect_vreg.gather [hbm4b:s2+s3], $0x80, v4, vm0, $0xb8;
	[tilespmem:$0xC200] =	vst v63  }
0xdb: {  	v3 =	vadd.s32 v1, v3  }
0xdc: {  	[tilespmem:s16], [sflag:$0x1] =	stream.indirect_vreg.gather [hbm4b:s4+s3], $0x80, v4, vm0, $0xb8;
	[tilespmem:$0xC200] =	vst v63  }
0xdd: {  	_ = 	snop  }
0xde: {  	[tilespmem:s17], [sflag:$0x1] =	stream.indirect_vreg.gather [hbm4b:s5+s3], $0x80, v4, vm0, $0xb8;
	[tilespmem:$0xC200] =	vst v63  }
0xdf: {  	_ = 	snop  }
0xe0: {  	[tilespmem:s18], [sflag:$0x1] =	stream.indirect_vreg.gather [hbm4b:s2+s3], $0x80, v3, vm0, $0xb8;
	[tilespmem:$0xC200] =	vst v63  }
0xe1: {  	_ = 	snop  }
0xe2: {  	[tilespmem:s19], [sflag:$0x1] =	stream.indirect_vreg.gather [hbm4b:s4+s3], $0x80, v3, vm0, $0xb8;
	[tilespmem:$0xC200] =	vst v63  }
0xe3: {  	_ = 	snop  }
0xe4: {  	[tilespmem:s20], [sflag:$0x1] =	stream.indirect_vreg.gather [hbm4b:s5+s3], $0x80, v3, vm0, $0xb8;
	[tilespmem:$0xC200] =	vst v63  }
0xe5: {  	v3 =	vld [tilespmem:$0x120];
	_ =	sdelay $0x4  }
0xe6: {  	v62 =	vshrl.u32 v3, $0x3  }
0xe7: {  	v4 =	vmul.u32 $0x30, v62  }
0xe8: {  	v3 =	vand.u32 $0x7, v3  }
0xe9: {  	v3 =	vor.u32 v3, v4  }
0xea: {  	v4 =	vperm.xlane v3, v0;
	_ =	sdelay $0x1  }
0xeb: {  	v4 =	vadd.s32 v1, v4;
	_ =	sdelay $0x3  }
0xec: {  	v3 =	vperm.xlane v3, v2  }
0xed: {  	[tilespmem:s21], [sflag:$0x1] =	stream.indirect_vreg.gather [hbm4b:s2+s3], $0x80, v4, vm0, $0xb8;
	[tilespmem:$0xC200] =	vst v63  }
0xee: {  	v3 =	vadd.s32 v1, v3  }
0xef: {  	[tilespmem:s22], [sflag:$0x1] =	stream.indirect_vreg.gather [hbm4b:s4+s3], $0x80, v4, vm0, $0xb8;
	[tilespmem:$0xC200] =	vst v63  }
0xf0: {  	_ = 	snop  }
0xf1: {  	[tilespmem:s23], [sflag:$0x1] =	stream.indirect_vreg.gather [hbm4b:s5+s3], $0x80, v4, vm0, $0xb8;
	[tilespmem:$0xC200] =	vst v63  }
0xf2: {  	_ = 	snop  }
0xf3: {  	[tilespmem:s24], [sflag:$0x1] =	stream.indirect_vreg.gather [hbm4b:s2+s3], $0x80, v3, vm0, $0xb8;
	[tilespmem:$0xC200] =	vst v63  }
0xf4: {  	_ = 	snop  }
0xf5: {  	[tilespmem:s25], [sflag:$0x1] =	stream.indirect_vreg.gather [hbm4b:s4+s3], $0x80, v3, vm0, $0xb8;
	[tilespmem:$0xC200] =	vst v63  }
0xf6: {  	_ = 	snop  }
0xf7: {  	[tilespmem:s26], [sflag:$0x1] =	stream.indirect_vreg.gather [hbm4b:s5+s3], $0x80, v3, vm0, $0xb8;
	[tilespmem:$0xC200] =	vst v63  }
0xf8: {  	v3 =	vld [tilespmem:$0x130];
	_ =	sdelay $0x4  }
0xf9: {  	v63 =	vshrl.u32 v3, $0x3  }
0xfa: {  	v4 =	vmul.u32 $0x30, v63  }
0xfb: {  	v3 =	vand.u32 $0x7, v3  }
0xfc: {  	v3 =	vor.u32 v3, v4  }
0xfd: {  	v4 =	vperm.xlane v3, v0;
	_ =	sdelay $0x1  }
0xfe: {  	v4 =	vadd.s32 v1, v4;
	_ =	sdelay $0x3  }
0xff: {  	v3 =	vperm.xlane v3, v2  }
0x100: {  	[tilespmem:s28], [sflag:$0x1] =	stream.indirect_vreg.gather [hbm4b:s2+s3], $0x80, v4, vm0, $0xb8;
	[tilespmem:$0xC200] =	vst v63  }
0x101: {  	v3 =	vadd.s32 v1, v3  }
0x102: {  	[tilespmem:s29], [sflag:$0x1] =	stream.indirect_vreg.gather [hbm4b:s4+s3], $0x80, v4, vm0, $0xb8;
	[tilespmem:$0xC200] =	vst v63  }
0x103: {  	_ = 	snop  }
0x104: {  	[tilespmem:s30], [sflag:$0x1] =	stream.indirect_vreg.gather [hbm4b:s5+s3], $0x80, v4, vm0, $0xb8;
	[tilespmem:$0xC200] =	vst v63  }
0x105: {  	_ = 	snop  }
0x106: {  	[tilespmem:s31], [sflag:$0x1] =	stream.indirect_vreg.gather [hbm4b:s2+s3], $0x80, v3, vm0, $0xb8;
	[tilespmem:$0xC200] =	vst v63  }
0x107: {  	s9 =	simm.s32 $0xB200  }
0x108: {  	[tilespmem:s9], [sflag:$0x1] =	stream.indirect_vreg.gather [hbm4b:s4+s3], $0x80, v3, vm0, $0xb8;
	[tilespmem:$0xC200] =	vst v63  }
0x109: {  	_ = 	snop  }
0x10a: {  	[tilespmem:s8], [sflag:$0x1] =	stream.indirect_vreg.gather [hbm4b:s5+s3], $0x80, v3, vm0, $0xb8;
	[tilespmem:$0xC200] =	vst v63  }
0x10b: {  	_ =	swait.ge [sflag:s0], $0xC000  }
0x10c: {  	p0 =	sne.s32 s6, $0x1;
	[sflag:s0] =	ssyncset.done $0x0  }
.Ltmp0:
0x10d: {  	s8 =	rddreg [dreg:$0x7];
	[sflag:s0] =	ssyncadd.s32 $0xFFFF4000;
	(pc) =	sbr.rel @p0 .LBB2_1-.Ltmp0, $4  }
0x10e: {  	[hbm4b:s8+s3] =	stream.linear.scatter [tilespmem:s1], [sflag:$0x2], $0xC000, $0x38;
	[tilespmem:$0xC200] =	vst v63  }
0x10f: {  	_ =	swait.ge [sflag:s7], $0xC000  }
0x110: {  	[sflag:s7] =	ssyncset.done $0x0  }
0x111: {  	s6 =	sadd.s32 $0xFFFFFFFF, s6;
	[sflag:s7] =	ssyncadd.s32 $0xFFFF4000  }
0x112: {  	_ =	sfence.sel $0x180000  }
0x113: {  	[bflag:$0x0] =	sbarrier.arrive $0xFFFF  }
0x114: {  	_ =	strace $0x9000004A  }
0x115: {  	s0 =	stileid.u32;
	[bflag:$0x2] =	sbarrier.arrive $0xFFFF  }
0x116: {  	p0 =	sne.s32 s0, $0x0;
	s0 =	rddreg [dreg:$0x3]  }
0x117: {  	s0 =	sadd.s32 @!p0 $0x100000, s0  }
0x118: {  	[sflag:s0] =	ssyncadd.tile.s32 @!p0 $0x1;
	_ =	shalt  }
.Lfunc_end2:
_tile_overlayer_lowered:
.L_overlay_start_2:
0x119: {  	(tag) =	ssettag $0x2  }
0x11a: {  	s0 =	rddreg [dreg:$0x0];
	s2 =	stileid.u32  }
0x11b: {  	s1 =	rddreg [dreg:$0x1];
	p0 =	sne.s32 s2, $0x0  }
0x11c: {  	s3 =	rddreg [dreg:$0x2];
	[bflag:$0x3] =	sbarrier.arrive $0xFFFF;
	s2 =	simm.s32 @!p0 $0x1C02  }
0x11d: {  	[timem:s3], [sflag:s2] =	dma.local @!p0 [hbm:s0], s1  }
0x11e: {  	s0 =	simm.s32 @!p0 $0x2  }
0x11f: {  	_ =	swait.ge @!p0 [sflag:s0], s1  }
0x120: {  	s1 =	ssub.s32 @!p0 $0x0, s1;
	[sflag:s0] =	ssyncset.done @!p0 $0x0  }
0x121: {  	[sflag:s0] =	ssyncadd.s32 @!p0 s1  }
0x122: {  	[bflag:$0x3] =	sbarrier.arrive $0xFFFF  }
0x123: {  	_ =	shalt  }

// kernel: kernel.15.cloned.1.call-start
scs
__scs_entry_jumppad:
0x0: {  	(pc) =	sbr.rel $0x88, $3  }
0x1: {  	(tag) =	ssettag $0x0;
	lr =	simm.s32 $0x1  }
0x2: {  	[smem:$0x3F8F] =	sst lr;
	_ =	strace $0xD0000000  }
0x3: {  	_ = 	snop  }
0x4: {  	_ = 	snop  }
0x5: {  	_ = 	snop  }
0x6: {  	_ = 	snop  }
0x7: {  	_ = 	snop  }
__scs_overlays_trampoline_lowered:
0x8: {  	[smem:$0x3F9E] =	sst s0  }
0x9: {  	[smem:$0x3F9F] =	sst s1  }
0xa: {  	[smem:$0x3FA0] =	sst s2  }
0xb: {  	[smem:$0x3FA1] =	sst s3  }
0xc: {  	[smem:$0x3FA2] =	sst s4  }
0xd: {  	[smem:$0x3FA3] =	sst s5  }
0xe: {  	[smem:$0x3FA4] =	sst s6  }
0xf: {  	[smem:$0x3FA5] =	sst s7  }
0x10: {  	[smem:$0x3FA6] =	sst s8  }
0x11: {  	[smem:$0x3FA7] =	sst s9;
	s0 =	simm.s32 @!p0 $0x0  }
0x12: {  	s1 =	sld [smem:$0x3F8D];
	s0 =	simm.s32 @p0 $0x1  }
0x13: {  	[smem:$0x3FA8] =	sst s0;
	s0 =	simm.s32 @!p1 $0x0  }
0x14: {  	s2 =	sld [smem:$0x3F8C];
	s0 =	simm.s32 @p1 $0x1  }
0x15: {  	[smem:$0x3FA9] =	sst s0;
	s0 =	simm.s32 @!p2 $0x0  }
0x16: {  	s3 =	sld [smem:$0x3FDB];
	s0 =	simm.s32 @p2 $0x1  }
0x17: {  	s4 =	simm.s32 $0x1BF5;
	[smem:$0x3FAB] =	sst s0  }
0x18: {  	s0 =	sld [smem:$0x3F8E];
	_ =	swait.ge [sflag:s4], $0x0  }
0x19: {  	s7 =	sld [smem:$0x3F8F]  }
0x1a: {  	s8 =	sadd.s32 $0xFFFFE003, lr  }
0x1b: {  	s9 =	sadd.s32 $0xFFFFFEF7, lr;
	s5 =	simm.s32 $0xFFFFFFFF;
	p2 =	slt.u32 s8, $0xFFFFF086  }
0x1c: {  	p1 =	slt.u32 s9, $0xF7A;
	s5 =	simm.s32 @!p2 $0x0  }
0x1d: {  	s5 =	simm.s32 @p1 $0x1;
	p0 =	seq.s32 s7, s2  }
0x1e: {  	s7 =	smul.u32 @!p0 $0xF7A, s2;
	p2 =	seq.s32 @!p0 s5, $0x0  }
0x1f: {  	s9 =	smul.u32 $0xF7A, s1;
	s8 =	simm.s32 @!p0 $0x1BF5;
	p2 =	por !p2, p0  }
0x20: {  	[sflag:s8] =	ssyncset.s32 @!p0 $0xFFFFF086;
	s6 =	sadd.s32 @!p0 s3, s7;
	s7 =	simm.s32 @!p0 $0x108  }
0x21: {  	s3 =	sadd.s32 s3, s9;
	s6 =	sadd.s32 @!p0 $0x88, s6;
	s7 =	simm.s32 @p2 $0x1082  }
0x22: {  	[simem:s7], [sflag:s8] =	dma.local @!p0 [hbm:s6], $0xF7A  }
0x23: {  	s9 =	sor.u32 $0xD0000000, s2;
	s6 =	simm.s32 $0x108;
	_ =	swait.ge @!p0 [sflag:s8], $0x0  }
0x24: {  	s3 =	sadd.s32 $0x88, s3;
	s6 =	simm.s32 @!p1 $0x1082;
	[sflag:s4] =	ssyncset.s32 $0xFFFFF086  }
0x25: {  	[simem:s6], [sflag:s4] =	dma.local [hbm:s3], $0xF7A  }
0x26: {  	[smem:$0x3F8F] =	sst s1;
	(tag) =	ssettag s2;
	_ =	strace s9  }
0x27: {  	s1 =	sld [smem:$0x3F9F]  }
0x28: {  	s2 =	sld [smem:$0x3FA0]  }
0x29: {  	s4 =	sld [smem:$0x3FA2]  }
0x2a: {  	p0 =	seq.s32 s5, $0x0;
	s5 =	sld [smem:$0x3FA3]  }
0x2b: {  	s6 =	sld [smem:$0x3FA4]  }
0x2c: {  	s7 =	sld [smem:$0x3FA5]  }
0x2d: {  	s3 =	simm.s32 $0x108;
	s8 =	sld [smem:$0x3FA6]  }
0x2e: {  	s3 =	simm.s32 @!p0 $0x1082;
	s9 =	sld [smem:$0x3FA7]  }
0x2f: {  	lr =	sadd.s32 s0, s3;
	s0 =	sld [smem:$0x3F9E]  }
0x30: {  	s3 =	sld [smem:$0x3FA1]  }
0x31: {  	[smem:$0x3FAA] =	sst s10  }
0x32: {  	s10 =	sld [smem:$0x3FA8];
	_ =	sdelay $0x3  }
0x33: {  	p0 =	seq.s32 s10, $0x1;
	s10 =	sld [smem:$0x3FAA];
	_ =	sdelay $0x3  }
0x34: {  	[smem:$0x3FAA] =	sst s10  }
0x35: {  	s10 =	sld [smem:$0x3FA9];
	_ =	sdelay $0x3  }
0x36: {  	p1 =	seq.s32 s10, $0x1;
	s10 =	sld [smem:$0x3FAA];
	_ =	sdelay $0x3  }
0x37: {  	[smem:$0x3FAA] =	sst s10  }
0x38: {  	s10 =	sld [smem:$0x3FAB]  }
0x39: {  	_ = 	snop;
	(pc) =	sbr.ind lr, $3  }
0x3a: {  	_ = 	snop  }
0x3b: {  	_ = 	snop  }
0x3c: {  	p2 =	seq.s32 s10, $0x1;
	s10 =	sld [smem:$0x3FAA]  }
0x3d: {  	_ =	shalt  }
0x3e: {  	_ =	shalt  }
0x3f: {  	_ =	shalt  }
0x40: {  	_ =	shalt  }
0x41: {  	_ =	shalt  }
0x42: {  	_ =	shalt  }
0x43: {  	_ =	shalt  }
0x44: {  	_ =	shalt  }
0x45: {  	_ =	shalt  }
0x46: {  	_ =	shalt  }
0x47: {  	_ =	shalt  }
0x48: {  	_ =	shalt  }
0x49: {  	_ =	shalt  }
0x4a: {  	_ =	shalt  }
0x4b: {  	_ =	shalt  }
0x4c: {  	_ =	shalt  }
0x4d: {  	_ =	shalt  }
0x4e: {  	_ =	shalt  }
0x4f: {  	_ =	shalt  }
0x50: {  	_ =	shalt  }
0x51: {  	_ =	shalt  }
0x52: {  	_ =	shalt  }
0x53: {  	_ =	shalt  }
0x54: {  	_ =	shalt  }
0x55: {  	_ =	shalt  }
0x56: {  	_ =	shalt  }
0x57: {  	_ =	shalt  }
0x58: {  	_ =	shalt  }
0x59: {  	_ =	shalt  }
0x5a: {  	_ =	shalt  }
0x5b: {  	_ =	shalt  }
0x5c: {  	_ =	shalt  }
0x5d: {  	_ =	shalt  }
0x5e: {  	_ =	shalt  }
0x5f: {  	_ =	shalt  }
0x60: {  	_ =	shalt  }
0x61: {  	_ =	shalt  }
0x62: {  	_ =	shalt  }
0x63: {  	_ =	shalt  }
0x64: {  	_ =	shalt  }
0x65: {  	_ =	shalt  }
0x66: {  	_ =	shalt  }
0x67: {  	_ =	shalt  }
0x68: {  	_ =	shalt  }
0x69: {  	_ =	shalt  }
0x6a: {  	_ =	shalt  }
0x6b: {  	_ =	shalt  }
0x6c: {  	_ =	shalt  }
0x6d: {  	_ =	shalt  }
0x6e: {  	_ =	shalt  }
0x6f: {  	_ =	shalt  }
0x70: {  	_ =	shalt  }
0x71: {  	_ =	shalt  }
0x72: {  	_ =	shalt  }
0x73: {  	_ =	shalt  }
0x74: {  	_ =	shalt  }
0x75: {  	_ =	shalt  }
0x76: {  	_ =	shalt  }
0x77: {  	_ =	shalt  }
0x78: {  	_ =	shalt  }
0x79: {  	_ =	shalt  }
0x7a: {  	_ =	shalt  }
0x7b: {  	_ =	shalt  }
0x7c: {  	_ =	shalt  }
0x7d: {  	_ =	shalt  }
0x7e: {  	_ =	shalt  }
0x7f: {  	_ =	shalt  }
0x80: {  	_ =	shalt  }
0x81: {  	_ =	shalt  }
0x82: {  	_ =	shalt  }
0x83: {  	_ =	shalt  }
0x84: {  	_ =	shalt  }
0x85: {  	_ =	shalt  }
0x86: {  	_ =	shalt  }
0x87: {  	_ =	shalt  }
.Lfunc_end0:
.L_simem_size_0:
called_computation.2_lowered:
.L_overlay_start_0:
0x88: {  	s2 =	sld [smem:$0x3FD9]  }
0x89: {  	s3 =	sld [smem:$0x3FFE];
	_ =	sdelay $0x1  }
0x8a: {  	s1 =	srdreg.scid  }
0x8b: {  	s0 =	sand.u32 $0x1, s1  }
0x8c: {  	s14 =	sshll.u32 s0, $0xA;
	s2 =	sadd.s32 s3, s2  }
0x8d: {  	s2 =	sadd.s32 s2, s14  }
0x8e: {  	[smem:$0x3FB6] =	sst s2  }
0x8f: {  	_ = 	snop  }
0x90: {  	s2 =	sld [smem:$0x3FD0];
	_ =	sdelay $0x2  }
0x91: {  	s15 =	simm.s32 $0xA;
	s4 =	simm.s32 $0x10  }
0x92: {  	[smem:s4], [sflag:s15] =	dma.local [hbm:s2], $0x1  }
0x93: {  	_ =	swait.eq [sflag:s15], $0x1  }
0x94: {  	[sflag:s15] =	ssyncset.done $0x0  }
0x95: {  	[sflag:s15] =	ssyncadd.s32 $0xFFFFFFFF  }
0x96: {  	s16 =	sld [smem:$0x10];
	(tm) =	ssettm $0x1  }
0x97: {  	s17 =	sld [smem:$0x3FFB];
	_ =	sdelay $0x3  }
0x98: {  	_ =	strace s17  }
0x99: {  	s3 =	sld [smem:$0x3FFC];
	_ =	sdelay $0x3  }
0x9a: {  	_ =	strace s3  }
0x9b: {  	s3 =	sld [smem:$0x3FFD];
	_ =	sdelay $0x3  }
0x9c: {  	_ =	strace s3  }
0x9d: {  	_ =	strace $0x8FFFFFFF  }
0x9e: {  	s18 =	sld [smem:$0x3FDB];
	_ =	sdelay $0x1  }
0x9f: {  	s19 =	simm.s32 $_scs_section_size  }
0xa0: {  	s5 =	simm.s32 $_size__tile_overlayer_lowered;
	s6 =	simm.s32 $_tile_overlayer_lowered  }
0xa1: {  	s22 =	simm.s32 $0x1BFF;
	s21 =	sshll.u32 s6, $0x1;
	s3 =	sadd.s32 s19, s18  }
0xa2: {  	s7 =	simm.s32 $0x0;
	s20 =	sshll.u32 s5, $0x1;
	s5 =	sadd.s32 s21, s3  }
0xa3: {  	[timem:s7], [sflag:s22] =	dma.local [hbm:s5], s20  }
0xa4: {  	_ =	swait.ge [sflag:s22], s20  }
0xa5: {  	s4 =	ssub.s32 $0x0, s20;
	[sflag:s22] =	ssyncset.done $0x0  }
0xa6: {  	[sflag:s22] =	ssyncadd.s32 s4;
	_ =	sdelay $0x1  }
0xa7: {  	s23 =	simm.s32 $0x1B8B  }
0xa8: {  	_ =	swait.ge [sflag:s23], $0x1  }
0xa9: {  	[sflag:s23] =	ssyncset.done $0x0  }
0xaa: {  	s25 =	simm.s32 $0x1B8E;
	s24 =	sld [smem:$0x3FFE];
	[sflag:s23] =	ssyncadd.s32 $0xFFFFFFFF  }
0xab: {  	s26 =	simm.s32 $execute0_lowered;
	[smem:$0x3FD2] =	sst s25  }
0xac: {  	s5 =	sshll.u32 s26, $0x1;
	_ =	strace $0x8000004C;
	[dreg:$0x1] =	wrdreg $0xFFFFFFFF  }
0xad: {  	s28 =	simm.s32 $_size_execute0_lowered;
	s3 =	sadd.s32 s3, s5;
	[dreg:$0x0] =	wrdreg $0x0  }
0xae: {  	s5 =	sshll.u32 s28, $0x1;
	[dreg:$0x2] =	wrdreg s3  }
0xaf: {  	[dreg:$0x3] =	wrdreg s5  }
0xb0: {  	[dreg:$0x4] =	wrdreg $0xC0  }
0xb1: {  	_ =	task [dreg:s7], $0x5FFFF  }
0xb2: {  	[dreg:$0x1] =	wrdreg $0xFFFFFFFF  }
0xb3: {  	[dreg:$0x0] =	wrdreg $0x60  }
0xb4: {  	[dreg:$0x2] =	wrdreg s24  }
0xb5: {  	[dreg:$0x3] =	wrdreg s16  }
0xb6: {  	[dreg:$0x4] =	wrdreg $0x9  }
0xb7: {  	_ =	task.clear_ibuf [dreg:s7], $0x5FFFF;
	_ =	strace $0x9000004C  }
0xb8: {  	s29 =	simm.s32 $0x9;
	_ =	strace $0x8000004E  }
0xb9: {  	_ =	swait.ge [sflag:s29], $0x1  }
0xba: {  	[sflag:s29] =	ssyncadd.s32 $0xFFFFFFFF  }
0xbb: {  	_ =	strace $0x9000004E  }
0xbc: {  	_ =	sfence  }
0xbd: {  	s30 =	sld [smem:$0x0];
	_ =	sdelay $0x2  }
0xbe: {  	s31 =	sshll.u32 s1, $0xD;
	s1 =	sshrl.u32 s1, $0x2  }
0xbf: {  	s3 =	sand.u32 $0x4000, s31;
	s1 =	sadd.s32 s1, s30  }
0xc0: {  	s0 =	sor.u32 s3, s0;
	s1 =	sshll.u32 s1, $0x11  }
0xc1: {  	s0 =	sor.u32 s1, s0  }
0xc2: {  	s0 =	sadd.s32 $0x8F2B, s0  }
0xc3: {  	[sflag:s0] =	ssyncadd.remote.s32 $0x1  }
0xc4: {  	_ =	sfence.sel $0xFFFF  }
0xc5: {  	[dreg:$0x0] =	wrdreg $0xFFFFFFFF;
	(pc) =	sbr.abs _section_cstart, $3  }
0xc6: {  	[dreg:$0x1] =	wrdreg $0xFFFFFFFF  }
0xc7: {  	_ =	task.clear_ibuf [dreg:s7], $0x2FFFF;
	_ =	strace $0x9FFFFFFF  }
0xc8: {  	(tm) =	ssettm $0x7FFFFFFF  }
0xc9: {  	_ =	shalt  }
tec
execute0_lowered:
.L_overlay_start_1:
0x0: {  	(tag) =	ssettag $0x1  }
0x1: {  	s0 =	rddreg [dreg:$0x0];
	s1 =	srdreg.scid  }
0x2: {  	s2 =	stileid.u32;
	s4 =	rddreg [dreg:$0x1];
	s10 =	simm.s32 $0x880  }
0x3: {  	s11 =	simm.s32 $0x1080;
	s12 =	simm.s32 $0x1880;
	s13 =	simm.s32 $0x2080  }
0x4: {  	s14 =	simm.s32 $0x2880;
	s15 =	simm.s32 $0x3080;
	s16 =	simm.s32 $0x3880  }
0x5: {  	s17 =	simm.s32 $0x4080;
	s18 =	simm.s32 $0x4880;
	s19 =	simm.s32 $0x5080  }
0x6: {  	s20 =	simm.s32 $0x5880;
	s21 =	simm.s32 $0x6080;
	s22 =	simm.s32 $0x6880  }
0x7: {  	s23 =	simm.s32 $0x7080;
	s28 =	simm.s32 $0x9080;
	s29 =	simm.s32 $0x9880  }
0x8: {  	s30 =	simm.s32 $0xA080;
	s1 =	sand.u32 $0x1, s1;
	s3 =	sshll.u32 s2, $0x1  }
0x9: {  	s31 =	simm.s32 $0xA880;
	s2 =	simm.s32 $0x0;
	s3 =	sor.u32 s1, s3  }
0xa: {  	[smem:$0x7FF] =	sst s2;
	s1 =	ssub.s32 $0x2, s1;
	s5 =	sshll.u32 s3, $0x4  }
0xb: {  	s6 =	smul.u32 $0x1800, s3;
	_ =	strace $0x8000004D;
	s24 =	sshrl.u32 s1, $0x1  }
0xc: {  	s3 =	sadd.s32 $0xA0200, s0;
	s5 =	sadd.s32 s5, s0;
	s1 =	ssub.s32 s1, s24  }
0xd: {  	s24 =	simm.s32 $0x7880;
	s7 =	sadd.s32 s6, s0;
	s8 =	sadd.s32 $0x400, s5  }
0xe: {  	s4 =	sadd.s32 s4, s6;
	s25 =	sadd.s32 $0x200, s5;
	[dreg:$0x3] =	wrdreg s8  }
0xf: {  	s5 =	sadd.s32 $0xA0400, s0;
	s6 =	smax.u32 s1, $0x1;
	[dreg:$0x4] =	wrdreg s4  }
0x10: {  	v2 =	vlaneseq.u32;
	s1 =	simm.s32 $0x80;
	[dreg:$0x5] =	wrdreg s25;
	s26 =	sadd.s32 $0x600, s7  }
0x11: {  	vm0 =	vmmov $0xffff;
	v1 =	vshrl.u32 v2, $0x3;
	s4 =	sadd.s32 $0xA0300, s0;
	s7 =	simm.s32 $0x2;
	s0 =	simm.s32 $0x1  }
0x12: {  	v0 =	vand.u32 $0x7, v2;
	v2 =	vor.u32 $0x8, v2;
	v1 =	vmul.u32 $0x8, v1;
	s25 =	simm.s32 $0x8080;
	[dreg:$0x6] =	wrdreg s26;
	s26 =	simm.s32 $0x8880  }
.LBB2_1:
0x13: {  	s9 =	rddreg [dreg:$0x3]  }
0x14: {  	[tilespmem:s2], [sflag:$0x2] =	stream.linear.gather [hbm4b:s9+s2], $0x80, $0x38;
	[tilespmem:$0xC080] =	vst v63  }
0x15: {  	_ =	swait.ge [sflag:s7], $0x80  }
0x16: {  	[sflag:s7] =	ssyncset.done $0x0  }
0x17: {  	[sflag:s7] =	ssyncadd.s32 $0xFFFFFF80  }
0x18: {  	v3 =	vld [tilespmem:$0x0];
	_ =	sdelay $0x4  }
0x19: {  	v4 =	vshrl.u32 v3, $0x3  }
0x1a: {  	v4 =	vmul.u32 $0x30, v4  }
0x1b: {  	v3 =	vand.u32 $0x7, v3  }
0x1c: {  	v3 =	vor.u32 v3, v4  }
0x1d: {  	v4 =	vperm.xlane v3, v0;
	_ =	sdelay $0x1  }
0x1e: {  	v4 =	vadd.s32 v1, v4;
	_ =	sdelay $0x3  }
0x1f: {  	v3 =	vperm.xlane v3, v2  }
0x20: {  	[tilespmem:s1], [sflag:$0x1] =	stream.indirect_vreg.gather [hbm4b:s3+s2], $0x80, v4, vm0, $0xb8;
	[tilespmem:$0xC080] =	vst v63  }
0x21: {  	v3 =	vadd.s32 v1, v3  }
0x22: {  	[tilespmem:s10], [sflag:$0x1] =	stream.indirect_vreg.gather [hbm4b:s4+s2], $0x80, v4, vm0, $0xb8;
	[tilespmem:$0xC080] =	vst v63  }
0x23: {  	_ = 	snop  }
0x24: {  	[tilespmem:s11], [sflag:$0x1] =	stream.indirect_vreg.gather [hbm4b:s5+s2], $0x80, v4, vm0, $0xb8;
	[tilespmem:$0xC080] =	vst v63  }
0x25: {  	_ = 	snop  }
0x26: {  	[tilespmem:s12], [sflag:$0x1] =	stream.indirect_vreg.gather [hbm4b:s3+s2], $0x80, v3, vm0, $0xb8;
	[tilespmem:$0xC080] =	vst v63  }
0x27: {  	_ = 	snop  }
0x28: {  	[tilespmem:s13], [sflag:$0x1] =	stream.indirect_vreg.gather [hbm4b:s4+s2], $0x80, v3, vm0, $0xb8;
	[tilespmem:$0xC080] =	vst v63  }
0x29: {  	_ = 	snop  }
0x2a: {  	[tilespmem:s14], [sflag:$0x1] =	stream.indirect_vreg.gather [hbm4b:s5+s2], $0x80, v3, vm0, $0xb8;
	[tilespmem:$0xC080] =	vst v63  }
0x2b: {  	v3 =	vld [tilespmem:$0x10];
	_ =	sdelay $0x4  }
0x2c: {  	v57 =	vshrl.u32 v3, $0x3  }
0x2d: {  	v4 =	vmul.u32 $0x30, v57  }
0x2e: {  	v3 =	vand.u32 $0x7, v3  }
0x2f: {  	v3 =	vor.u32 v3, v4  }
0x30: {  	v4 =	vperm.xlane v3, v0;
	_ =	sdelay $0x1  }
0x31: {  	v4 =	vadd.s32 v1, v4;
	_ =	sdelay $0x3  }
0x32: {  	v3 =	vperm.xlane v3, v2  }
0x33: {  	[tilespmem:s15], [sflag:$0x1] =	stream.indirect_vreg.gather [hbm4b:s3+s2], $0x80, v4, vm0, $0xb8;
	[tilespmem:$0xC080] =	vst v63  }
0x34: {  	v3 =	vadd.s32 v1, v3  }
0x35: {  	[tilespmem:s16], [sflag:$0x1] =	stream.indirect_vreg.gather [hbm4b:s4+s2], $0x80, v4, vm0, $0xb8;
	[tilespmem:$0xC080] =	vst v63  }
0x36: {  	_ = 	snop  }
0x37: {  	[tilespmem:s17], [sflag:$0x1] =	stream.indirect_vreg.gather [hbm4b:s5+s2], $0x80, v4, vm0, $0xb8;
	[tilespmem:$0xC080] =	vst v63  }
0x38: {  	_ = 	snop  }
0x39: {  	[tilespmem:s18], [sflag:$0x1] =	stream.indirect_vreg.gather [hbm4b:s3+s2], $0x80, v3, vm0, $0xb8;
	[tilespmem:$0xC080] =	vst v63  }
0x3a: {  	_ = 	snop  }
0x3b: {  	[tilespmem:s19], [sflag:$0x1] =	stream.indirect_vreg.gather [hbm4b:s4+s2], $0x80, v3, vm0, $0xb8;
	[tilespmem:$0xC080] =	vst v63  }
0x3c: {  	_ = 	snop  }
0x3d: {  	[tilespmem:s20], [sflag:$0x1] =	stream.indirect_vreg.gather [hbm4b:s5+s2], $0x80, v3, vm0, $0xb8;
	[tilespmem:$0xC080] =	vst v63  }
0x3e: {  	v3 =	vld [tilespmem:$0x20];
	_ =	sdelay $0x4  }
0x3f: {  	v58 =	vshrl.u32 v3, $0x3  }
0x40: {  	v4 =	vmul.u32 $0x30, v58  }
0x41: {  	v3 =	vand.u32 $0x7, v3  }
0x42: {  	v3 =	vor.u32 v3, v4  }
0x43: {  	v4 =	vperm.xlane v3, v0;
	_ =	sdelay $0x1  }
0x44: {  	v4 =	vadd.s32 v1, v4;
	_ =	sdelay $0x3  }
0x45: {  	v3 =	vperm.xlane v3, v2  }
0x46: {  	[tilespmem:s21], [sflag:$0x1] =	stream.indirect_vreg.gather [hbm4b:s3+s2], $0x80, v4, vm0, $0xb8;
	[tilespmem:$0xC080] =	vst v63  }
0x47: {  	v3 =	vadd.s32 v1, v3  }
0x48: {  	[tilespmem:s22], [sflag:$0x1] =	stream.indirect_vreg.gather [hbm4b:s4+s2], $0x80, v4, vm0, $0xb8;
	[tilespmem:$0xC080] =	vst v63  }
0x49: {  	_ = 	snop  }
0x4a: {  	[tilespmem:s23], [sflag:$0x1] =	stream.indirect_vreg.gather [hbm4b:s5+s2], $0x80, v4, vm0, $0xb8;
	[tilespmem:$0xC080] =	vst v63  }
0x4b: {  	_ = 	snop  }
0x4c: {  	[tilespmem:s24], [sflag:$0x1] =	stream.indirect_vreg.gather [hbm4b:s3+s2], $0x80, v3, vm0, $0xb8;
	[tilespmem:$0xC080] =	vst v63  }
0x4d: {  	_ = 	snop  }
0x4e: {  	[tilespmem:s25], [sflag:$0x1] =	stream.indirect_vreg.gather [hbm4b:s4+s2], $0x80, v3, vm0, $0xb8;
	[tilespmem:$0xC080] =	vst v63  }
0x4f: {  	_ = 	snop  }
0x50: {  	[tilespmem:s26], [sflag:$0x1] =	stream.indirect_vreg.gather [hbm4b:s5+s2], $0x80, v3, vm0, $0xb8;
	[tilespmem:$0xC080] =	vst v63  }
0x51: {  	v3 =	vld [tilespmem:$0x30];
	_ =	sdelay $0x4  }
0x52: {  	v59 =	vshrl.u32 v3, $0x3  }
0x53: {  	v4 =	vmul.u32 $0x30, v59  }
0x54: {  	v3 =	vand.u32 $0x7, v3  }
0x55: {  	v3 =	vor.u32 v3, v4  }
0x56: {  	v4 =	vperm.xlane v3, v0;
	_ =	sdelay $0x1  }
0x57: {  	v4 =	vadd.s32 v1, v4;
	_ =	sdelay $0x3  }
0x58: {  	v3 =	vperm.xlane v3, v2  }
0x59: {  	[tilespmem:s28], [sflag:$0x1] =	stream.indirect_vreg.gather [hbm4b:s3+s2], $0x80, v4, vm0, $0xb8;
	[tilespmem:$0xC080] =	vst v63  }
0x5a: {  	v3 =	vadd.s32 v1, v3  }
0x5b: {  	[tilespmem:s29], [sflag:$0x1] =	stream.indirect_vreg.gather [hbm4b:s4+s2], $0x80, v4, vm0, $0xb8;
	[tilespmem:$0xC080] =	vst v63  }
0x5c: {  	_ = 	snop  }
0x5d: {  	[tilespmem:s30], [sflag:$0x1] =	stream.indirect_vreg.gather [hbm4b:s5+s2], $0x80, v4, vm0, $0xb8;
	[tilespmem:$0xC080] =	vst v63  }
0x5e: {  	_ = 	snop  }
0x5f: {  	[tilespmem:s31], [sflag:$0x1] =	stream.indirect_vreg.gather [hbm4b:s3+s2], $0x80, v3, vm0, $0xb8;
	[tilespmem:$0xC080] =	vst v63  }
0x60: {  	s8 =	simm.s32 $0xB080  }
0x61: {  	[tilespmem:s8], [sflag:$0x1] =	stream.indirect_vreg.gather [hbm4b:s4+s2], $0x80, v3, vm0, $0xb8;
	[tilespmem:$0xC080] =	vst v63  }
0x62: {  	s8 =	simm.s32 $0xB880  }
0x63: {  	[tilespmem:s8], [sflag:$0x1] =	stream.indirect_vreg.gather [hbm4b:s5+s2], $0x80, v3, vm0, $0xb8;
	[tilespmem:$0xC080] =	vst v63  }
0x64: {  	_ =	swait.ge [sflag:s0], $0xC000  }
0x65: {  	[sflag:s0] =	ssyncset.done $0x0  }
0x66: {  	s9 =	rddreg [dreg:$0x4];
	[sflag:s0] =	ssyncadd.s32 $0xFFFF4000  }
0x67: {  	[hbm4b:s9+s2] =	stream.linear.scatter [tilespmem:s1], [sflag:$0x2], $0xC000, $0x38;
	[tilespmem:$0xC080] =	vst v63  }
0x68: {  	_ =	swait.ge [sflag:s7], $0xC000  }
0x69: {  	[sflag:s7] =	ssyncset.done $0x0  }
0x6a: {  	s9 =	rddreg [dreg:$0x5];
	[sflag:s7] =	ssyncadd.s32 $0xFFFF4000  }
0x6b: {  	[tilespmem:s2], [sflag:$0x2] =	stream.linear.gather [hbm4b:s9+s2], $0x80, $0x38;
	[tilespmem:$0xC080] =	vst v63  }
0x6c: {  	_ =	swait.ge [sflag:s7], $0x80  }
0x6d: {  	[sflag:s7] =	ssyncset.done $0x0  }
0x6e: {  	[sflag:s7] =	ssyncadd.s32 $0xFFFFFF80  }
0x6f: {  	v3 =	vld [tilespmem:$0x0];
	_ =	sdelay $0x4  }
0x70: {  	v60 =	vshrl.u32 v3, $0x3  }
0x71: {  	v4 =	vmul.u32 $0x30, v60  }
0x72: {  	v3 =	vand.u32 $0x7, v3  }
0x73: {  	v3 =	vor.u32 v3, v4  }
0x74: {  	v4 =	vperm.xlane v3, v0;
	_ =	sdelay $0x1  }
0x75: {  	v4 =	vadd.s32 v1, v4;
	_ =	sdelay $0x3  }
0x76: {  	v3 =	vperm.xlane v3, v2  }
0x77: {  	[tilespmem:s1], [sflag:$0x1] =	stream.indirect_vreg.gather [hbm4b:s3+s2], $0x80, v4, vm0, $0xb8;
	[tilespmem:$0xC080] =	vst v63  }
0x78: {  	v3 =	vadd.s32 v1, v3  }
0x79: {  	[tilespmem:s10], [sflag:$0x1] =	stream.indirect_vreg.gather [hbm4b:s4+s2], $0x80, v4, vm0, $0xb8;
	[tilespmem:$0xC080] =	vst v63  }
0x7a: {  	_ = 	snop  }
0x7b: {  	[tilespmem:s11], [sflag:$0x1] =	stream.indirect_vreg.gather [hbm4b:s5+s2], $0x80, v4, vm0, $0xb8;
	[tilespmem:$0xC080] =	vst v63  }
0x7c: {  	_ = 	snop  }
0x7d: {  	[tilespmem:s12], [sflag:$0x1] =	stream.indirect_vreg.gather [hbm4b:s3+s2], $0x80, v3, vm0, $0xb8;
	[tilespmem:$0xC080] =	vst v63  }
0x7e: {  	_ = 	snop  }
0x7f: {  	[tilespmem:s13], [sflag:$0x1] =	stream.indirect_vreg.gather [hbm4b:s4+s2], $0x80, v3, vm0, $0xb8;
	[tilespmem:$0xC080] =	vst v63  }
0x80: {  	_ = 	snop  }
0x81: {  	[tilespmem:s14], [sflag:$0x1] =	stream.indirect_vreg.gather [hbm4b:s5+s2], $0x80, v3, vm0, $0xb8;
	[tilespmem:$0xC080] =	vst v63  }
0x82: {  	v3 =	vld [tilespmem:$0x10];
	_ =	sdelay $0x4  }
0x83: {  	v61 =	vshrl.u32 v3, $0x3  }
0x84: {  	v4 =	vmul.u32 $0x30, v61  }
0x85: {  	v3 =	vand.u32 $0x7, v3  }
0x86: {  	v3 =	vor.u32 v3, v4  }
0x87: {  	v4 =	vperm.xlane v3, v0;
	_ =	sdelay $0x1  }
0x88: {  	v4 =	vadd.s32 v1, v4;
	_ =	sdelay $0x3  }
0x89: {  	v3 =	vperm.xlane v3, v2  }
0x8a: {  	[tilespmem:s15], [sflag:$0x1] =	stream.indirect_vreg.gather [hbm4b:s3+s2], $0x80, v4, vm0, $0xb8;
	[tilespmem:$0xC080] =	vst v63  }
0x8b: {  	v3 =	vadd.s32 v1, v3  }
0x8c: {  	[tilespmem:s16], [sflag:$0x1] =	stream.indirect_vreg.gather [hbm4b:s4+s2], $0x80, v4, vm0, $0xb8;
	[tilespmem:$0xC080] =	vst v63  }
0x8d: {  	_ = 	snop  }
0x8e: {  	[tilespmem:s17], [sflag:$0x1] =	stream.indirect_vreg.gather [hbm4b:s5+s2], $0x80, v4, vm0, $0xb8;
	[tilespmem:$0xC080] =	vst v63  }
0x8f: {  	_ = 	snop  }
0x90: {  	[tilespmem:s18], [sflag:$0x1] =	stream.indirect_vreg.gather [hbm4b:s3+s2], $0x80, v3, vm0, $0xb8;
	[tilespmem:$0xC080] =	vst v63  }
0x91: {  	_ = 	snop  }
0x92: {  	[tilespmem:s19], [sflag:$0x1] =	stream.indirect_vreg.gather [hbm4b:s4+s2], $0x80, v3, vm0, $0xb8;
	[tilespmem:$0xC080] =	vst v63  }
0x93: {  	_ = 	snop  }
0x94: {  	[tilespmem:s20], [sflag:$0x1] =	stream.indirect_vreg.gather [hbm4b:s5+s2], $0x80, v3, vm0, $0xb8;
	[tilespmem:$0xC080] =	vst v63  }
0x95: {  	v3 =	vld [tilespmem:$0x20];
	_ =	sdelay $0x4  }
0x96: {  	v62 =	vshrl.u32 v3, $0x3  }
0x97: {  	v4 =	vmul.u32 $0x30, v62  }
0x98: {  	v3 =	vand.u32 $0x7, v3  }
0x99: {  	v3 =	vor.u32 v3, v4  }
0x9a: {  	v4 =	vperm.xlane v3, v0;
	_ =	sdelay $0x1  }
0x9b: {  	v4 =	vadd.s32 v1, v4;
	_ =	sdelay $0x3  }
0x9c: {  	v3 =	vperm.xlane v3, v2  }
0x9d: {  	[tilespmem:s21], [sflag:$0x1] =	stream.indirect_vreg.gather [hbm4b:s3+s2], $0x80, v4, vm0, $0xb8;
	[tilespmem:$0xC080] =	vst v63  }
0x9e: {  	v3 =	vadd.s32 v1, v3  }
0x9f: {  	[tilespmem:s22], [sflag:$0x1] =	stream.indirect_vreg.gather [hbm4b:s4+s2], $0x80, v4, vm0, $0xb8;
	[tilespmem:$0xC080] =	vst v63  }
0xa0: {  	_ = 	snop  }
0xa1: {  	[tilespmem:s23], [sflag:$0x1] =	stream.indirect_vreg.gather [hbm4b:s5+s2], $0x80, v4, vm0, $0xb8;
	[tilespmem:$0xC080] =	vst v63  }
0xa2: {  	_ = 	snop  }
0xa3: {  	[tilespmem:s24], [sflag:$0x1] =	stream.indirect_vreg.gather [hbm4b:s3+s2], $0x80, v3, vm0, $0xb8;
	[tilespmem:$0xC080] =	vst v63  }
0xa4: {  	_ = 	snop  }
0xa5: {  	[tilespmem:s25], [sflag:$0x1] =	stream.indirect_vreg.gather [hbm4b:s4+s2], $0x80, v3, vm0, $0xb8;
	[tilespmem:$0xC080] =	vst v63  }
0xa6: {  	_ = 	snop  }
0xa7: {  	[tilespmem:s26], [sflag:$0x1] =	stream.indirect_vreg.gather [hbm4b:s5+s2], $0x80, v3, vm0, $0xb8;
	[tilespmem:$0xC080] =	vst v63  }
0xa8: {  	v3 =	vld [tilespmem:$0x30];
	_ =	sdelay $0x4  }
0xa9: {  	v63 =	vshrl.u32 v3, $0x3  }
0xaa: {  	v4 =	vmul.u32 $0x30, v63  }
0xab: {  	v3 =	vand.u32 $0x7, v3  }
0xac: {  	v3 =	vor.u32 v3, v4  }
0xad: {  	v4 =	vperm.xlane v3, v0;
	_ =	sdelay $0x1  }
0xae: {  	v4 =	vadd.s32 v1, v4;
	_ =	sdelay $0x3  }
0xaf: {  	v3 =	vperm.xlane v3, v2  }
0xb0: {  	[tilespmem:s28], [sflag:$0x1] =	stream.indirect_vreg.gather [hbm4b:s3+s2], $0x80, v4, vm0, $0xb8;
	[tilespmem:$0xC080] =	vst v63  }
0xb1: {  	v3 =	vadd.s32 v1, v3  }
0xb2: {  	[tilespmem:s29], [sflag:$0x1] =	stream.indirect_vreg.gather [hbm4b:s4+s2], $0x80, v4, vm0, $0xb8;
	[tilespmem:$0xC080] =	vst v63  }
0xb3: {  	_ = 	snop  }
0xb4: {  	[tilespmem:s30], [sflag:$0x1] =	stream.indirect_vreg.gather [hbm4b:s5+s2], $0x80, v4, vm0, $0xb8;
	[tilespmem:$0xC080] =	vst v63  }
0xb5: {  	_ = 	snop  }
0xb6: {  	[tilespmem:s31], [sflag:$0x1] =	stream.indirect_vreg.gather [hbm4b:s3+s2], $0x80, v3, vm0, $0xb8;
	[tilespmem:$0xC080] =	vst v63  }
0xb7: {  	s9 =	simm.s32 $0xB080  }
0xb8: {  	[tilespmem:s9], [sflag:$0x1] =	stream.indirect_vreg.gather [hbm4b:s4+s2], $0x80, v3, vm0, $0xb8;
	[tilespmem:$0xC080] =	vst v63  }
0xb9: {  	_ = 	snop  }
0xba: {  	[tilespmem:s8], [sflag:$0x1] =	stream.indirect_vreg.gather [hbm4b:s5+s2], $0x80, v3, vm0, $0xb8;
	[tilespmem:$0xC080] =	vst v63  }
0xbb: {  	_ =	swait.ge [sflag:s0], $0xC000  }
0xbc: {  	p0 =	sne.s32 s6, $0x1;
	[sflag:s0] =	ssyncset.done $0x0  }
.Ltmp0:
0xbd: {  	s8 =	rddreg [dreg:$0x6];
	[sflag:s0] =	ssyncadd.s32 $0xFFFF4000;
	(pc) =	sbr.rel @p0 .LBB2_1-.Ltmp0, $4  }
0xbe: {  	[hbm4b:s8+s2] =	stream.linear.scatter [tilespmem:s1], [sflag:$0x2], $0xC000, $0x38;
	[tilespmem:$0xC080] =	vst v63  }
0xbf: {  	_ =	swait.ge [sflag:s7], $0xC000  }
0xc0: {  	[sflag:s7] =	ssyncset.done $0x0  }
0xc1: {  	s6 =	sadd.s32 $0xFFFFFFFF, s6;
	[sflag:s7] =	ssyncadd.s32 $0xFFFF4000  }
0xc2: {  	_ =	sfence.sel $0x180000  }
0xc3: {  	[bflag:$0x0] =	sbarrier.arrive $0xFFFF  }
0xc4: {  	_ =	strace $0x9000004D  }
0xc5: {  	s0 =	stileid.u32;
	[bflag:$0x2] =	sbarrier.arrive $0xFFFF  }
0xc6: {  	p0 =	sne.s32 s0, $0x0;
	s0 =	rddreg [dreg:$0x2]  }
0xc7: {  	s0 =	sadd.s32 @!p0 $0x100000, s0  }
0xc8: {  	[sflag:s0] =	ssyncadd.tile.s32 @!p0 $0x1;
	_ =	shalt  }
.Lfunc_end2:
_tile_overlayer_lowered:
.L_overlay_start_2:
0xc9: {  	(tag) =	ssettag $0x2  }
0xca: {  	s0 =	rddreg [dreg:$0x0];
	s2 =	stileid.u32  }
0xcb: {  	s1 =	rddreg [dreg:$0x1];
	p0 =	sne.s32 s2, $0x0  }
0xcc: {  	s3 =	rddreg [dreg:$0x2];
	[bflag:$0x3] =	sbarrier.arrive $0xFFFF;
	s2 =	simm.s32 @!p0 $0x1C02  }
0xcd: {  	[timem:s3], [sflag:s2] =	dma.local @!p0 [hbm:s0], s1  }
0xce: {  	s0 =	simm.s32 @!p0 $0x2  }
0xcf: {  	_ =	swait.ge @!p0 [sflag:s0], s1  }
0xd0: {  	s1 =	ssub.s32 @!p0 $0x0, s1;
	[sflag:s0] =	ssyncset.done @!p0 $0x0  }
0xd1: {  	[sflag:s0] =	ssyncadd.s32 @!p0 s1  }
0xd2: {  	[bflag:$0x3] =	sbarrier.arrive $0xFFFF  }
0xd3: {  	_ =	shalt  }

</sc_bundles>
